<compile_context>
chip_gen: v7x
topology: tpu7x:2x2x1
jax: 0.10.2.dev20260603
libtpu: 0.0.44.dev20260713+nightly
codegen_flags: <defaults>
</compile_context>

<pallas_src>
import functools

import jax
import jax.numpy as jnp
from jax import lax
from jax.experimental import pallas as pl
from jax.experimental.pallas import tpu as pltpu
from jax.experimental.pallas import tpu_sc as plsc

N = 10000
D = 128
E = 320000
NC, NS = 2, 16
NW = NC * NS
CHUNK = 128
EPW = 10240
EPAD = NW * EPW
NCHUNK = EPW // CHUNK
NP = 10240
RPW = NP // NS
NPA = 10240
RPA = NPA // NS
NCH = EPAD // CHUNK
BM = 2048
NBLK = NP // BM

_MESH = dict(core_axis_name="c", subcore_axis_name="s", num_cores=NC,
             num_subcores=NS)


def _sc_deg(dst_r):

    @functools.partial(
        pl.kernel,
        out_type=jax.ShapeDtypeStruct((NC, NP), jnp.float32),
        mesh=plsc.VectorSubcoreMesh(**_MESH),
        scratch_types=[
            pltpu.VMEM((NCHUNK, CHUNK), jnp.int32),
            pltpu.VMEM((CHUNK,), jnp.float32),
            pltpu.VMEM((RPW,), jnp.float32),
            pltpu.VMEM_SHARED((NP,), jnp.float32),
        ],
    )
    def k(dst_hbm, out_hbm, didx, ones_v, zbuf, acc):
        c = lax.axis_index("c")
        s = lax.axis_index("s")
        w = s * NC + c

        def fill0(i, _):
            zbuf[pl.ds(i * 16, 16)] = jnp.zeros((16,), jnp.float32)
            return 0

        lax.fori_loop(0, RPW // 16, fill0, 0)

        def fill1(i, _):
            ones_v[pl.ds(i * 16, 16)] = jnp.ones((16,), jnp.float32)
            return 0

        lax.fori_loop(0, CHUNK // 16, fill1, 0)

        pltpu.sync_copy(zbuf, acc.at[pl.ds(s * RPW, RPW)])
        pltpu.sync_copy(dst_hbm.at[w], didx)
        plsc.subcore_barrier()

        def body(j, _):
            pltpu.sync_copy(ones_v, acc.at[didx.at[j]], add=True)
            return 0

        lax.fori_loop(0, NCHUNK, body, 0)
        plsc.subcore_barrier()
        pltpu.sync_copy(acc.at[pl.ds(s * RPW, RPW)],
                        out_hbm.at[c, pl.ds(s * RPW, RPW)])

    return k(dst_r)


def _sc_agg(g_pad, src_r, dst_r):

    @functools.partial(
        pl.kernel,
        out_type=jax.ShapeDtypeStruct((NC, NP, D), jnp.float32),
        mesh=plsc.VectorSubcoreMesh(**_MESH),
        scratch_types=[
            pltpu.VMEM((NCHUNK, CHUNK), jnp.int32),
            pltpu.VMEM((CHUNK,), jnp.int32),
            pltpu.VMEM((CHUNK,), jnp.int32),
            pltpu.VMEM((CHUNK, D), jnp.float32),
            pltpu.VMEM((CHUNK, D), jnp.float32),
            pltpu.VMEM((8, D), jnp.float32),
            pltpu.VMEM_SHARED((NPA, D), jnp.float32),
            pltpu.SemaphoreType.DMA,
            pltpu.SemaphoreType.DMA,
            pltpu.SemaphoreType.DMA,
            pltpu.SemaphoreType.DMA,
        ],
    )
    def k(g_hbm, src_hbm, dst_hbm, out_hbm,
          sidx, d0, d1, rows0, rows1, zrow, acc, semg0, semg1, semd0, semd1):
        c = lax.axis_index("c")
        s = lax.axis_index("s")
        w = s * NC + c

        zv = jnp.zeros((16,), jnp.float32)

        def fillz(i, _):
            zrow[i // 8, pl.ds((i % 8) * 16, 16)] = zv
            return 0

        lax.fori_loop(0, 8 * 8, fillz, 0)

        def zcopy(t, _):
            pltpu.sync_copy(zrow, acc.at[pl.ds(s * RPA + t * 8, 8)])
            return 0

        lax.fori_loop(0, RPA // 8, zcopy, 0)

        def gstart(j, rows, sem):
            pltpu.async_copy(g_hbm.at[sidx.at[j]], rows, sem)

        def gwait(j, rows, sem):
            pltpu.make_async_copy(g_hbm.at[sidx.at[j]], rows, sem).wait()

        def dstart(j, dbuf, sem):
            pltpu.async_copy(dst_hbm.at[w, j], dbuf, sem)

        def dwait(j, dbuf, sem):
            pltpu.make_async_copy(dst_hbm.at[w, j], dbuf, sem).wait()

        def scat(rows, dbuf):
            pltpu.sync_copy(rows, acc.at[dbuf], add=True)

        pltpu.sync_copy(src_hbm.at[w], sidx)
        plsc.subcore_barrier()

        dstart(0, d0, semd0)
        dstart(1, d1, semd1)
        gstart(0, rows0, semg0)

        def body(t, _):
            j0 = t * 2
            gstart(j0 + 1, rows1, semg1)
            gwait(j0, rows0, semg0)
            dwait(j0, d0, semd0)
            scat(rows0, d0)

            @pl.when(t < NCHUNK // 2 - 1)
            def _():
                dstart(j0 + 2, d0, semd0)
                gstart(j0 + 2, rows0, semg0)

            gwait(j0 + 1, rows1, semg1)
            dwait(j0 + 1, d1, semd1)
            scat(rows1, d1)

            @pl.when(t < NCHUNK // 2 - 1)
            def _():
                dstart(j0 + 3, d1, semd1)

            return 0

        lax.fori_loop(0, NCHUNK // 2, body, 0)
        plsc.subcore_barrier()
        pltpu.sync_copy(acc.at[pl.ds(s * RPA, RPA)],
                        out_hbm.at[c, pl.ds(s * RPA, RPA)])

    return k(g_pad, src_r, dst_r)


def _tc_g(x_pad, W, deg_part):

    def body(x_ref, w_ref, deg_ref, g_ref):
        deg = deg_ref[0, :] + deg_ref[1, :] + 1.0
        dinv = lax.rsqrt(deg)[:, None]
        g_ref[...] = jnp.dot(x_ref[...], w_ref[...],
                             preferred_element_type=jnp.float32) * dinv

    return pl.pallas_call(
        body,
        grid=(NBLK,),
        in_specs=[
            pl.BlockSpec((BM, D), lambda i: (i, 0)),
            pl.BlockSpec((D, D), lambda i: (0, 0)),
            pl.BlockSpec((NC, BM), lambda i: (0, i)),
        ],
        out_specs=pl.BlockSpec((BM, D), lambda i: (i, 0)),
        out_shape=jax.ShapeDtypeStruct((NP, D), jnp.float32),
    )(x_pad, W, deg_part)


def _tc_pre(agg_part, g, deg_part, bias2d):

    def body(a_ref, g_ref, deg_ref, b_ref, pre_ref, st_ref, accv):
        i = pl.program_id(0)
        deg = deg_ref[0, :] + deg_ref[1, :] + 1.0
        dinv = lax.rsqrt(deg)[:, None]
        pre = (a_ref[0] + a_ref[1] + g_ref[...]) * dinv + b_ref[...]
        pre_ref[...] = pre
        rid = lax.broadcasted_iota(jnp.int32, (BM, 1), 0) + i * BM
        pz = jnp.where(rid < N, pre, 0.0)

        @pl.when(i == 0)
        def _():
            accv[...] = jnp.zeros_like(accv)

        accv[0, :] += jnp.sum(pz, axis=0)
        accv[1, :] += jnp.sum(pz * pz, axis=0)

        @pl.when(i == NBLK - 1)
        def _():
            st_ref[...] = accv[...]

    return pl.pallas_call(
        body,
        grid=(NBLK,),
        in_specs=[
            pl.BlockSpec((NC, BM, D), lambda i: (0, i, 0)),
            pl.BlockSpec((BM, D), lambda i: (i, 0)),
            pl.BlockSpec((NC, BM), lambda i: (0, i)),
            pl.BlockSpec((1, D), lambda i: (0, 0)),
        ],
        out_specs=[
            pl.BlockSpec((BM, D), lambda i: (i, 0)),
            pl.BlockSpec((2, D), lambda i: (0, 0)),
        ],
        out_shape=[
            jax.ShapeDtypeStruct((NP, D), jnp.float32),
            jax.ShapeDtypeStruct((2, D), jnp.float32),
        ],
        scratch_shapes=[pltpu.VMEM((2, D), jnp.float32)],
    )(agg_part, g, deg_part, bias2d)


def _tc_norm(pre, stats, gamma2d, beta2d):

    BN = N // 5

    def body(p_ref, st_ref, gm_ref, bt_ref, o_ref):
        mean = st_ref[0, :] * (1.0 / N)
        var = st_ref[1, :] * (1.0 / N) - mean * mean
        scale = lax.rsqrt(var + 1e-5) * gm_ref[0, :]
        o_ref[...] = jnp.maximum((p_ref[...] - mean) * scale + bt_ref[0, :],
                                 0.0)

    return pl.pallas_call(
        body,
        grid=(5,),
        in_specs=[
            pl.BlockSpec((BN, D), lambda i: (i, 0)),
            pl.BlockSpec((2, D), lambda i: (0, 0)),
            pl.BlockSpec((1, D), lambda i: (0, 0)),
            pl.BlockSpec((1, D), lambda i: (0, 0)),
        ],
        out_specs=pl.BlockSpec((BN, D), lambda i: (i, 0)),
        out_shape=jax.ShapeDtypeStruct((N, D), jnp.float32),
    )(pre, stats, gamma2d, beta2d)


def kernel(x, edge_index, W, bias, gamma, beta):
    src = edge_index[0].astype(jnp.int32)
    dst = edge_index[1].astype(jnp.int32)
    src_r = jnp.concatenate(
        [src, jnp.zeros((EPAD - E,), jnp.int32)]).reshape(NW, NCHUNK, CHUNK)
    dst_r = jnp.concatenate(
        [dst, jnp.full((EPAD - E,), N, jnp.int32)]).reshape(NW, NCHUNK, CHUNK)
    x_pad = jnp.pad(x, ((0, NP - N), (0, 0)))

    deg_part = _sc_deg(dst_r)
    g = _tc_g(x_pad, W, deg_part)
    agg_part = _sc_agg(g, src_r, dst_r)
    pre, stats = _tc_pre(agg_part, g, deg_part, bias.reshape(1, D))
    return _tc_norm(pre, stats, gamma.reshape(1, D), beta.reshape(1, D))

# --- scband reference (transcript-rebuilt; emitter-appended) ---
"""Pipeline reference for scband-identity-operation-1-16784732192992 (READ-ONLY COPY).

The authoritative reference and input builder live on the scoring server;
editing this copy changes nothing except your own understanding.
"""

import jax, jax.numpy as jnp
import numpy as np

N_NODES = 10000
N_EDGES = 320000
D = 128


def setup_inputs(seed: int = 0) -> dict:
    key = jax.random.key(seed)
    k_x, k_ei, k_w, k_b, k_g, k_beta = jax.random.split(key, 6)
    x = jax.random.normal(k_x, (N_NODES, D), dtype=jnp.float32)
    edge_index = jax.random.randint(k_ei, (2, N_EDGES), 0, N_NODES, dtype=jnp.int64)
    # GCNConv params (glorot-ish init) and BatchNorm1d params
    W = jax.random.normal(k_w, (D, D), dtype=jnp.float32) * (1.0 / np.sqrt(D))
    bias = jnp.zeros((D,), dtype=jnp.float32)
    gamma = jnp.ones((D,), dtype=jnp.float32)
    beta = jnp.zeros((D,), dtype=jnp.float32)
    return {"x": x, "edge_index": edge_index, "W": W, "bias": bias, "gamma": gamma, "beta": beta}


def reference(x, edge_index, W, bias, gamma, beta):
    # --- GCNConv (PyG semantics: add self-loops, symmetric normalization) ---
    N = x.shape[0]
    loop = jnp.arange(N, dtype=edge_index.dtype)
    src = jnp.concatenate([edge_index[0], loop])
    dst = jnp.concatenate([edge_index[1], loop])
    ones = jnp.ones(src.shape[0], dtype=x.dtype)
    deg = jax.ops.segment_sum(ones, dst, num_segments=N)
    deg_inv_sqrt = jnp.where(deg > 0, jax.lax.rsqrt(jnp.maximum(deg, 1e-12)), 0.0)
    norm = deg_inv_sqrt[src] * deg_inv_sqrt[dst]
    h = x @ W  # linear transform
    msg = h[src] * norm[:, None]  # gather + scale
    out = jax.ops.segment_sum(msg, dst, num_segments=N)  # scatter-add aggregate
    out = out + bias
    # --- BatchNorm1d (training mode: batch statistics over nodes) ---
    mean = jnp.mean(out, axis=0)
    var = jnp.var(out, axis=0)
    out = (out - mean) * jax.lax.rsqrt(var + 1e-5) * gamma + beta
    # --- ReLU ---
    out = jnp.maximum(out, 0.0)
    return out

if __name__ == "__main__":
    import jax
    _d = setup_inputs()
    print(jax.jit(kernel)(*tuple(_d.values())))

</pallas_src>

<mosaic_0001>
#map = affine_map<(d0, d1) -> (0, 0, 0)>
#map1 = affine_map<(d0, d1) -> (0, 0)>
module attributes {stable_mosaic.version = 14 : i64} {
  func.func @k(%arg0: i32, %arg1: i32, %arg2: memref<32x80x128xi32, #tpu.memory_space<hbm>>, %arg3: memref<2x10240xf32, #tpu.memory_space<hbm>>, %arg4: memref<80x128xi32, #tpu.memory_space<vmem>>, %arg5: memref<128xf32, #tpu.memory_space<vmem>>, %arg6: memref<640xf32, #tpu.memory_space<vmem>>, %arg7: memref<10240xf32, #tpu.memory_space<vmem_shared>>) attributes {dimension_semantics = [#tpu.dimension_semantics<core_parallel>, #tpu.dimension_semantics<subcore_parallel>], iteration_bounds = array<i64: 2, 16>, scalar_prefetch = 0 : i64, scratch_operands = 4 : i64, tpu.core_type = #tpu.core_type<sc_vector_subcore>, window_params = [{transform_indices = #map}, {transform_indices = #map1}]} {
    %mul3A = arith.constant 2 : i32
    %mul3A_0 = arith.muli %arg1, %mul3A : i32
    %add3A = arith.addi %mul3A_0, %arg0 : i32
    %scan3A = arith.constant 0 : i32
    %scan3A_1 = arith.constant 0 : i32
    %scan3A_2 = arith.constant 40 : i32
    %scan3A_3 = arith.addi %scan3A_1, %scan3A_2 : i32
    %scan3A_4 = arith.constant 1 : i32
    %scan3A_5 = scf.for %scan3A_28 = %scan3A_1 to %scan3A_3 step %scan3A_4 iter_args(%scan3A_29 = %scan3A) -> (i32)  : i32 {
      %broadcast_in_dim3A = arith.constant 0.000000e+00 : f32
      %broadcast_in_dim3A_30 = vector.broadcast %broadcast_in_dim3A : f32 to vector<16xf32>
      %mul3A_31 = arith.constant 16 : i32
      %mul3A_32 = arith.muli %scan3A_28, %mul3A_31 : i32
      %swap3A = arith.index_cast %mul3A_32 : i32 to index
      %swap3A_33 = tpu.vector_load %arg6[%swap3A] {strides = array<i32>} : memref<640xf32, #tpu.memory_space<vmem>>, vector<16xf32>,
      %swap3A_34 = vector.shape_cast %swap3A_33 : vector<16xf32> to vector<16xf32>
      %swap3A_35 = vector.shape_cast %broadcast_in_dim3A_30 : vector<16xf32> to vector<16xf32>
      tpu.vector_store %arg6[%swap3A], %swap3A_35 {strides = array<i32>} : memref<640xf32, #tpu.memory_space<vmem>>, vector<16xf32>,
      %scan3A_36 = arith.constant 0 : i32
      scf.yield %scan3A_36 : i32
    }
    %scan3A_6 = arith.constant 40 : i32
    %scan3A_7 = arith.constant 0 : i32
    %scan3A_8 = arith.constant 0 : i32
    %scan3A_9 = arith.constant 8 : i32
    %scan3A_10 = arith.addi %scan3A_8, %scan3A_9 : i32
    %scan3A_11 = arith.constant 1 : i32
    %scan3A_12 = scf.for %scan3A_28 = %scan3A_8 to %scan3A_10 step %scan3A_11 iter_args(%scan3A_29 = %scan3A_7) -> (i32)  : i32 {
      %broadcast_in_dim3A = arith.constant 1.000000e+00 : f32
      %broadcast_in_dim3A_30 = vector.broadcast %broadcast_in_dim3A : f32 to vector<16xf32>
      %mul3A_31 = arith.constant 16 : i32
      %mul3A_32 = arith.muli %scan3A_28, %mul3A_31 : i32
      %swap3A = arith.index_cast %mul3A_32 : i32 to index
      %swap3A_33 = tpu.vector_load %arg5[%swap3A] {strides = array<i32>} : memref<128xf32, #tpu.memory_space<vmem>>, vector<16xf32>,
      %swap3A_34 = vector.shape_cast %swap3A_33 : vector<16xf32> to vector<16xf32>
      %swap3A_35 = vector.shape_cast %broadcast_in_dim3A_30 : vector<16xf32> to vector<16xf32>
      tpu.vector_store %arg5[%swap3A], %swap3A_35 {strides = array<i32>} : memref<128xf32, #tpu.memory_space<vmem>>, vector<16xf32>,
      %scan3A_36 = arith.constant 0 : i32
      scf.yield %scan3A_36 : i32
    }
    %scan3A_13 = arith.constant 8 : i32
    %mul3A_14 = arith.constant 640 : i32
    %mul3A_15 = arith.muli %arg1, %mul3A_14 : i32
    "tpu.region"() ({
      %run_scoped3A = tpu.sem_alloc : memref<!tpu.dma_semaphore, #tpu.memory_space<semaphore_mem>>
      %dma_start3A = tpu.memref_slice %arg7[%mul3A_15] : memref<10240xf32, #tpu.memory_space<vmem_shared>> -> memref<640xf32, #tpu.memory_space<vmem_shared>>
      %dma_start3A_28 = tpu.memref_slice %arg7[%mul3A_15] : memref<10240xf32, #tpu.memory_space<vmem_shared>> -> memref<640xf32, #tpu.memory_space<vmem_shared>>
      tpu.enqueue_dma source(%arg6 : memref<640xf32, #tpu.memory_space<vmem>>) target(%dma_start3A_28 : memref<640xf32, #tpu.memory_space<vmem_shared>>) target_semaphore(%run_scoped3A : memref<!tpu.dma_semaphore, #tpu.memory_space<semaphore_mem>>)
      %dma_wait3A = tpu.memref_slice %arg7[%mul3A_15] : memref<10240xf32, #tpu.memory_space<vmem_shared>> -> memref<640xf32, #tpu.memory_space<vmem_shared>>
      %dma_wait3A_29 = tpu.memref_slice %arg7[%mul3A_15] : memref<10240xf32, #tpu.memory_space<vmem_shared>> -> memref<640xf32, #tpu.memory_space<vmem_shared>>
      tpu.wait_dma2 semaphore(%run_scoped3A : memref<!tpu.dma_semaphore, #tpu.memory_space<semaphore_mem>>) src(%arg6 : memref<640xf32, #tpu.memory_space<vmem>>) dst(%dma_wait3A_29 : memref<640xf32, #tpu.memory_space<vmem_shared>>)
      tpu.yield
    }) : () -> ()
    "tpu.region"() ({
      %run_scoped3A = tpu.sem_alloc : memref<!tpu.dma_semaphore, #tpu.memory_space<semaphore_mem>>
      %dma_start3A = arith.constant 0 : i32
      %dma_start3A_28 = arith.constant 0 : i32
      %dma_start3A_29 = tpu.memref_slice %arg2[%add3A, %dma_start3A, %dma_start3A_28] : memref<32x80x128xi32, #tpu.memory_space<hbm>> -> memref<1x80x128xi32, #tpu.memory_space<hbm>>
      %dma_start3A_30 = tpu.memref_squeeze %dma_start3A_29 : memref<1x80x128xi32, #tpu.memory_space<hbm>> -> memref<80x128xi32, #tpu.memory_space<hbm>>
      %dma_start3A_31 = arith.constant 0 : i32
      %dma_start3A_32 = arith.constant 0 : i32
      %dma_start3A_33 = tpu.memref_slice %arg2[%add3A, %dma_start3A_31, %dma_start3A_32] : memref<32x80x128xi32, #tpu.memory_space<hbm>> -> memref<1x80x128xi32, #tpu.memory_space<hbm>>
      %dma_start3A_34 = tpu.memref_squeeze %dma_start3A_33 : memref<1x80x128xi32, #tpu.memory_space<hbm>> -> memref<80x128xi32, #tpu.memory_space<hbm>>
      tpu.enqueue_dma source(%dma_start3A_34 : memref<80x128xi32, #tpu.memory_space<hbm>>) target(%arg4 : memref<80x128xi32, #tpu.memory_space<vmem>>) target_semaphore(%run_scoped3A : memref<!tpu.dma_semaphore, #tpu.memory_space<semaphore_mem>>)
      %dma_wait3A = arith.constant 0 : i32
      %dma_wait3A_35 = arith.constant 0 : i32
      %dma_wait3A_36 = tpu.memref_slice %arg2[%add3A, %dma_wait3A, %dma_wait3A_35] : memref<32x80x128xi32, #tpu.memory_space<hbm>> -> memref<1x80x128xi32, #tpu.memory_space<hbm>>
      %dma_wait3A_37 = tpu.memref_squeeze %dma_wait3A_36 : memref<1x80x128xi32, #tpu.memory_space<hbm>> -> memref<80x128xi32, #tpu.memory_space<hbm>>
      %dma_wait3A_38 = arith.constant 0 : i32
      %dma_wait3A_39 = arith.constant 0 : i32
      %dma_wait3A_40 = tpu.memref_slice %arg2[%add3A, %dma_wait3A_38, %dma_wait3A_39] : memref<32x80x128xi32, #tpu.memory_space<hbm>> -> memref<1x80x128xi32, #tpu.memory_space<hbm>>
      %dma_wait3A_41 = tpu.memref_squeeze %dma_wait3A_40 : memref<1x80x128xi32, #tpu.memory_space<hbm>> -> memref<80x128xi32, #tpu.memory_space<hbm>>
      tpu.wait_dma2 semaphore(%run_scoped3A : memref<!tpu.dma_semaphore, #tpu.memory_space<semaphore_mem>>) src(%dma_wait3A_41 : memref<80x128xi32, #tpu.memory_space<hbm>>) dst(%arg4 : memref<80x128xi32, #tpu.memory_space<vmem>>)
      tpu.yield
    }) : () -> ()
    %barrier3A = arith.constant 0 : index
    tpu.barrier barrier_id(%barrier3A)
    %scan3A_16 = arith.constant 0 : i32
    %scan3A_17 = arith.constant 0 : i32
    %scan3A_18 = arith.constant 80 : i32
    %scan3A_19 = arith.addi %scan3A_17, %scan3A_18 : i32
    %scan3A_20 = arith.constant 1 : i32
    %scan3A_21 = scf.for %scan3A_28 = %scan3A_17 to %scan3A_19 step %scan3A_20 iter_args(%scan3A_29 = %scan3A_16) -> (i32)  : i32 {
      "tpu.region"() ({
        %run_scoped3A = tpu.sem_alloc : memref<!tpu.dma_semaphore, #tpu.memory_space<semaphore_mem>>
        %dma_start3A = arith.constant 0 : i32
        %dma_start3A_31 = tpu.memref_slice %arg4[%scan3A_28, %dma_start3A] : memref<80x128xi32, #tpu.memory_space<vmem>> -> memref<1x128xi32, #tpu.memory_space<vmem>>
        %dma_start3A_32 = tpu.memref_squeeze %dma_start3A_31 : memref<1x128xi32, #tpu.memory_space<vmem>> -> memref<128xi32, #tpu.memory_space<vmem>>
        %dma_start3A_33 = arith.constant 0 : i32
        %dma_start3A_34 = tpu.memref_slice %arg7[%dma_start3A_33] : memref<10240xf32, #tpu.memory_space<vmem_shared>> -> memref<10240xf32, #tpu.memory_space<vmem_shared>>
        tpu.enqueue_indirect_dma source(%arg5 : memref<128xf32, #tpu.memory_space<vmem>>) target(%dma_start3A_34 : memref<10240xf32, #tpu.memory_space<vmem_shared>>) offsets(%dma_start3A_32 : memref<128xi32, #tpu.memory_space<vmem>>) semaphore(%run_scoped3A : memref<!tpu.dma_semaphore, #tpu.memory_space<semaphore_mem>>) {add = true}
        %dma_wait3A = arith.constant 0 : i32
        %dma_wait3A_35 = tpu.memref_slice %arg4[%scan3A_28, %dma_wait3A] : memref<80x128xi32, #tpu.memory_space<vmem>> -> memref<1x128xi32, #tpu.memory_space<vmem>>
        %dma_wait3A_36 = tpu.memref_squeeze %dma_wait3A_35 : memref<1x128xi32, #tpu.memory_space<vmem>> -> memref<128xi32, #tpu.memory_space<vmem>>
        %dma_wait3A_37 = arith.constant 0 : i32
        %dma_wait3A_38 = tpu.memref_slice %arg7[%dma_wait3A_37] : memref<10240xf32, #tpu.memory_space<vmem_shared>> -> memref<10240xf32, #tpu.memory_space<vmem_shared>>
        tpu.wait_indirect_dma semaphore(%run_scoped3A : memref<!tpu.dma_semaphore, #tpu.memory_space<semaphore_mem>>) src(%arg5 : memref<128xf32, #tpu.memory_space<vmem>>) dst(%dma_wait3A_38 : memref<10240xf32, #tpu.memory_space<vmem_shared>>)
        tpu.yield
      }) : () -> ()
      %scan3A_30 = arith.constant 0 : i32
      scf.yield %scan3A_30 : i32
    }
    %scan3A_22 = arith.constant 80 : i32
    %barrier3A_23 = arith.constant 0 : index
    tpu.barrier barrier_id(%barrier3A_23)
    %mul3A_24 = arith.constant 640 : i32
    %mul3A_25 = arith.muli %arg1, %mul3A_24 : i32
    %mul3A_26 = arith.constant 640 : i32
    %mul3A_27 = arith.muli %arg1, %mul3A_26 : i32
    "tpu.region"() ({
      %run_scoped3A = tpu.sem_alloc : memref<!tpu.dma_semaphore, #tpu.memory_space<semaphore_mem>>
      %dma_start3A = tpu.memref_slice %arg3[%arg0, %mul3A_27] : memref<2x10240xf32, #tpu.memory_space<hbm>> -> memref<1x640xf32, #tpu.memory_space<hbm>>
      %dma_start3A_28 = tpu.memref_squeeze %dma_start3A : memref<1x640xf32, #tpu.memory_space<hbm>> -> memref<640xf32, #tpu.memory_space<hbm>>
      %dma_start3A_29 = tpu.memref_slice %arg7[%mul3A_25] : memref<10240xf32, #tpu.memory_space<vmem_shared>> -> memref<640xf32, #tpu.memory_space<vmem_shared>>
      tpu.enqueue_dma source(%dma_start3A_29 : memref<640xf32, #tpu.memory_space<vmem_shared>>) target(%dma_start3A_28 : memref<640xf32, #tpu.memory_space<hbm>>) target_semaphore(%run_scoped3A : memref<!tpu.dma_semaphore, #tpu.memory_space<semaphore_mem>>)
      %dma_wait3A = tpu.memref_slice %arg3[%arg0, %mul3A_27] : memref<2x10240xf32, #tpu.memory_space<hbm>> -> memref<1x640xf32, #tpu.memory_space<hbm>>
      %dma_wait3A_30 = tpu.memref_squeeze %dma_wait3A : memref<1x640xf32, #tpu.memory_space<hbm>> -> memref<640xf32, #tpu.memory_space<hbm>>
      %dma_wait3A_31 = tpu.memref_slice %arg7[%mul3A_25] : memref<10240xf32, #tpu.memory_space<vmem_shared>> -> memref<640xf32, #tpu.memory_space<vmem_shared>>
      tpu.wait_dma2 semaphore(%run_scoped3A : memref<!tpu.dma_semaphore, #tpu.memory_space<semaphore_mem>>) src(%dma_wait3A_31 : memref<640xf32, #tpu.memory_space<vmem_shared>>) dst(%dma_wait3A_30 : memref<640xf32, #tpu.memory_space<hbm>>)
      tpu.yield
    }) : () -> ()
    return
  }
}

#map = affine_map<(d0, d1) -> (0, 0)>
#map1 = affine_map<(d0, d1) -> (0, 0, 0)>
module attributes {stable_mosaic.version = 14 : i64} {
  func.func @k(%arg0: i32, %arg1: i32, %arg2: memref<10240x128xf32, #tpu.memory_space<hbm>>, %arg3: memref<32x80x128xi32, #tpu.memory_space<hbm>>, %arg4: memref<32x80x128xi32, #tpu.memory_space<hbm>>, %arg5: memref<2x10240x128xf32, #tpu.memory_space<hbm>>, %arg6: memref<80x128xi32, #tpu.memory_space<vmem>>, %arg7: memref<128xi32, #tpu.memory_space<vmem>>, %arg8: memref<128xi32, #tpu.memory_space<vmem>>, %arg9: memref<128x128xf32, #tpu.memory_space<vmem>>, %arg10: memref<128x128xf32, #tpu.memory_space<vmem>>, %arg11: memref<8x128xf32, #tpu.memory_space<vmem>>, %arg12: memref<10240x128xf32, #tpu.memory_space<vmem_shared>>, %arg13: memref<!tpu.dma_semaphore, #tpu.memory_space<semaphore_mem>>, %arg14: memref<!tpu.dma_semaphore, #tpu.memory_space<semaphore_mem>>, %arg15: memref<!tpu.dma_semaphore, #tpu.memory_space<semaphore_mem>>, %arg16: memref<!tpu.dma_semaphore, #tpu.memory_space<semaphore_mem>>) attributes {dimension_semantics = [#tpu.dimension_semantics<core_parallel>, #tpu.dimension_semantics<subcore_parallel>], iteration_bounds = array<i64: 2, 16>, scalar_prefetch = 0 : i64, scratch_operands = 11 : i64, tpu.core_type = #tpu.core_type<sc_vector_subcore>, window_params = [{transform_indices = #map}, {transform_indices = #map1}, {transform_indices = #map1}, {transform_indices = #map1}]} {
    %mul3A = arith.constant 2 : i32
    %mul3A_0 = arith.muli %arg1, %mul3A : i32
    %add3A = arith.addi %mul3A_0, %arg0 : i32
    %broadcast_in_dim3A = arith.constant 0.000000e+00 : f32
    %broadcast_in_dim3A_1 = vector.broadcast %broadcast_in_dim3A : f32 to vector<16xf32>
    %scan3A = arith.constant 0 : i32
    %scan3A_2 = arith.constant 0 : i32
    %scan3A_3 = arith.constant 64 : i32
    %scan3A_4 = arith.addi %scan3A_2, %scan3A_3 : i32
    %scan3A_5 = arith.constant 1 : i32
    %scan3A_6 = scf.for %scan3A_47 = %scan3A_2 to %scan3A_4 step %scan3A_5 iter_args(%scan3A_48 = %scan3A) -> (i32)  : i32 {
      %jit3A = arith.constant 8 : i32
      %div3A = arith.divsi %scan3A_47, %jit3A : i32
      %sign3A = arith.constant 0 : i32
      %sign3A_49 = arith.cmpi sgt, %scan3A_47, %sign3A : i32
      %sign3A_50 = arith.extui %sign3A_49 : i1 to i32
      %sign3A_51 = arith.constant 0 : i32
      %sign3A_52 = arith.cmpi slt, %scan3A_47, %sign3A_51 : i32
      %sign3A_53 = arith.extui %sign3A_52 : i1 to i32
      %sign3A_54 = arith.subi %sign3A_50, %sign3A_53 : i32
      %sign3A_55 = arith.constant 0 : i32
      %sign3A_56 = arith.cmpi sgt, %jit3A, %sign3A_55 : i32
      %sign3A_57 = arith.extui %sign3A_56 : i1 to i32
      %sign3A_58 = arith.constant 0 : i32
      %sign3A_59 = arith.cmpi slt, %jit3A, %sign3A_58 : i32
      %sign3A_60 = arith.extui %sign3A_59 : i1 to i32
      %sign3A_61 = arith.subi %sign3A_57, %sign3A_60 : i32
      %ne3A = arith.cmpi ne, %sign3A_54, %sign3A_61 : i32
      %rem3A = arith.remsi %scan3A_47, %jit3A : i32
      %ne3A_62 = arith.constant 0 : i32
      %ne3A_63 = arith.cmpi ne, %rem3A, %ne3A_62 : i32
      %and3A = arith.andi %ne3A, %ne3A_63 : i1
      %sub3A = arith.constant 1 : i32
      %sub3A_64 = arith.subi %div3A, %sub3A : i32
      %select_n3A = arith.select %and3A, %sub3A_64, %div3A : i32
      %jit3A_65 = arith.constant 8 : i32
      %eq3A = arith.constant 0 : i32
      %eq3A_66 = arith.cmpi eq, %jit3A_65, %eq3A : i32
      %jit3A_67 = arith.constant 1 : i32
      %select_n3A_68 = arith.select %eq3A_66, %jit3A_67, %jit3A_65 : i32
      %rem3A_69 = arith.remsi %scan3A_47, %select_n3A_68 : i32
      %ne3A_70 = arith.constant 0 : i32
      %ne3A_71 = arith.cmpi ne, %rem3A_69, %ne3A_70 : i32
      %lt3A = arith.constant 0 : i32
      %lt3A_72 = arith.cmpi slt, %rem3A_69, %lt3A : i32
      %lt3A_73 = arith.constant 0 : i32
      %lt3A_74 = arith.cmpi slt, %select_n3A_68, %lt3A_73 : i32
      %ne3A_75 = arith.xori %lt3A_72, %lt3A_74 : i1
      %and3A_76 = arith.andi %ne3A_75, %ne3A_71 : i1
      %add3A_77 = arith.addi %rem3A_69, %select_n3A_68 : i32
      %select_n3A_78 = arith.select %and3A_76, %add3A_77, %rem3A_69 : i32
      %mul3A_79 = arith.constant 16 : i32
      %mul3A_80 = arith.muli %select_n3A_78, %mul3A_79 : i32
      %swap3A = arith.index_cast %select_n3A : i32 to index
      %swap3A_81 = arith.index_cast %mul3A_80 : i32 to index
      %swap3A_82 = tpu.vector_load %arg11[%swap3A, %swap3A_81] {strides = array<i32>} : memref<8x128xf32, #tpu.memory_space<vmem>>, vector<1x16xf32>,
      %swap3A_83 = vector.shape_cast %swap3A_82 : vector<1x16xf32> to vector<16xf32>
      %swap3A_84 = vector.shape_cast %broadcast_in_dim3A_1 : vector<16xf32> to vector<1x16xf32>
      tpu.vector_store %arg11[%swap3A, %swap3A_81], %swap3A_84 {strides = array<i32>} : memref<8x128xf32, #tpu.memory_space<vmem>>, vector<1x16xf32>,
      %scan3A_85 = arith.constant 0 : i32
      scf.yield %scan3A_85 : i32
    }
    %scan3A_7 = arith.constant 64 : i32
    %scan3A_8 = arith.constant 0 : i32
    %scan3A_9 = arith.constant 0 : i32
    %scan3A_10 = arith.constant 80 : i32
    %scan3A_11 = arith.addi %scan3A_9, %scan3A_10 : i32
    %scan3A_12 = arith.constant 1 : i32
    %scan3A_13 = scf.for %scan3A_47 = %scan3A_9 to %scan3A_11 step %scan3A_12 iter_args(%scan3A_48 = %scan3A_8) -> (i32)  : i32 {
      %mul3A_49 = arith.constant 640 : i32
      %mul3A_50 = arith.muli %arg1, %mul3A_49 : i32
      %mul3A_51 = arith.constant 8 : i32
      %mul3A_52 = arith.muli %scan3A_47, %mul3A_51 : i32
      %add3A_53 = arith.addi %mul3A_50, %mul3A_52 : i32
      "tpu.region"() ({
        %run_scoped3A = tpu.sem_alloc : memref<!tpu.dma_semaphore, #tpu.memory_space<semaphore_mem>>
        %dma_start3A_55 = arith.constant 0 : i32
        %dma_start3A_56 = tpu.memref_slice %arg12[%add3A_53, %dma_start3A_55] : memref<10240x128xf32, #tpu.memory_space<vmem_shared>> -> memref<8x128xf32, #tpu.memory_space<vmem_shared>>
        %dma_start3A_57 = arith.constant 0 : i32
        %dma_start3A_58 = tpu.memref_slice %arg12[%add3A_53, %dma_start3A_57] : memref<10240x128xf32, #tpu.memory_space<vmem_shared>> -> memref<8x128xf32, #tpu.memory_space<vmem_shared>>
        tpu.enqueue_dma source(%arg11 : memref<8x128xf32, #tpu.memory_space<vmem>>) target(%dma_start3A_58 : memref<8x128xf32, #tpu.memory_space<vmem_shared>>) target_semaphore(%run_scoped3A : memref<!tpu.dma_semaphore, #tpu.memory_space<semaphore_mem>>)
        %dma_wait3A = arith.constant 0 : i32
        %dma_wait3A_59 = tpu.memref_slice %arg12[%add3A_53, %dma_wait3A] : memref<10240x128xf32, #tpu.memory_space<vmem_shared>> -> memref<8x128xf32, #tpu.memory_space<vmem_shared>>
        %dma_wait3A_60 = arith.constant 0 : i32
        %dma_wait3A_61 = tpu.memref_slice %arg12[%add3A_53, %dma_wait3A_60] : memref<10240x128xf32, #tpu.memory_space<vmem_shared>> -> memref<8x128xf32, #tpu.memory_space<vmem_shared>>
        tpu.wait_dma2 semaphore(%run_scoped3A : memref<!tpu.dma_semaphore, #tpu.memory_space<semaphore_mem>>) src(%arg11 : memref<8x128xf32, #tpu.memory_space<vmem>>) dst(%dma_wait3A_61 : memref<8x128xf32, #tpu.memory_space<vmem_shared>>)
        tpu.yield
      }) : () -> ()
      %scan3A_54 = arith.constant 0 : i32
      scf.yield %scan3A_54 : i32
    }
    %scan3A_14 = arith.constant 80 : i32
    "tpu.region"() ({
      %run_scoped3A = tpu.sem_alloc : memref<!tpu.dma_semaphore, #tpu.memory_space<semaphore_mem>>
      %dma_start3A_47 = arith.constant 0 : i32
      %dma_start3A_48 = arith.constant 0 : i32
      %dma_start3A_49 = tpu.memref_slice %arg3[%add3A, %dma_start3A_47, %dma_start3A_48] : memref<32x80x128xi32, #tpu.memory_space<hbm>> -> memref<1x80x128xi32, #tpu.memory_space<hbm>>
      %dma_start3A_50 = tpu.memref_squeeze %dma_start3A_49 : memref<1x80x128xi32, #tpu.memory_space<hbm>> -> memref<80x128xi32, #tpu.memory_space<hbm>>
      %dma_start3A_51 = arith.constant 0 : i32
      %dma_start3A_52 = arith.constant 0 : i32
      %dma_start3A_53 = tpu.memref_slice %arg3[%add3A, %dma_start3A_51, %dma_start3A_52] : memref<32x80x128xi32, #tpu.memory_space<hbm>> -> memref<1x80x128xi32, #tpu.memory_space<hbm>>
      %dma_start3A_54 = tpu.memref_squeeze %dma_start3A_53 : memref<1x80x128xi32, #tpu.memory_space<hbm>> -> memref<80x128xi32, #tpu.memory_space<hbm>>
      tpu.enqueue_dma source(%dma_start3A_54 : memref<80x128xi32, #tpu.memory_space<hbm>>) target(%arg6 : memref<80x128xi32, #tpu.memory_space<vmem>>) target_semaphore(%run_scoped3A : memref<!tpu.dma_semaphore, #tpu.memory_space<semaphore_mem>>)
      %dma_wait3A = arith.constant 0 : i32
      %dma_wait3A_55 = arith.constant 0 : i32
      %dma_wait3A_56 = tpu.memref_slice %arg3[%add3A, %dma_wait3A, %dma_wait3A_55] : memref<32x80x128xi32, #tpu.memory_space<hbm>> -> memref<1x80x128xi32, #tpu.memory_space<hbm>>
      %dma_wait3A_57 = tpu.memref_squeeze %dma_wait3A_56 : memref<1x80x128xi32, #tpu.memory_space<hbm>> -> memref<80x128xi32, #tpu.memory_space<hbm>>
      %dma_wait3A_58 = arith.constant 0 : i32
      %dma_wait3A_59 = arith.constant 0 : i32
      %dma_wait3A_60 = tpu.memref_slice %arg3[%add3A, %dma_wait3A_58, %dma_wait3A_59] : memref<32x80x128xi32, #tpu.memory_space<hbm>> -> memref<1x80x128xi32, #tpu.memory_space<hbm>>
      %dma_wait3A_61 = tpu.memref_squeeze %dma_wait3A_60 : memref<1x80x128xi32, #tpu.memory_space<hbm>> -> memref<80x128xi32, #tpu.memory_space<hbm>>
      tpu.wait_dma2 semaphore(%run_scoped3A : memref<!tpu.dma_semaphore, #tpu.memory_space<semaphore_mem>>) src(%dma_wait3A_61 : memref<80x128xi32, #tpu.memory_space<hbm>>) dst(%arg6 : memref<80x128xi32, #tpu.memory_space<vmem>>)
      tpu.yield
    }) : () -> ()
    %barrier3A = arith.constant 0 : index
    tpu.barrier barrier_id(%barrier3A)
    %dma_start3A = arith.constant 0 : i32
    %dma_start3A_15 = arith.constant 0 : i32
    %dma_start3A_16 = tpu.memref_slice %arg4[%add3A, %dma_start3A, %dma_start3A_15] : memref<32x80x128xi32, #tpu.memory_space<hbm>> -> memref<1x1x128xi32, #tpu.memory_space<hbm>>
    %dma_start3A_17 = tpu.memref_squeeze %dma_start3A_16 : memref<1x1x128xi32, #tpu.memory_space<hbm>> -> memref<128xi32, #tpu.memory_space<hbm>>
    %dma_start3A_18 = arith.constant 0 : i32
    %dma_start3A_19 = tpu.memref_slice %arg4[%add3A, %dma_start3A, %dma_start3A_18] : memref<32x80x128xi32, #tpu.memory_space<hbm>> -> memref<1x1x128xi32, #tpu.memory_space<hbm>>
    %dma_start3A_20 = tpu.memref_squeeze %dma_start3A_19 : memref<1x1x128xi32, #tpu.memory_space<hbm>> -> memref<128xi32, #tpu.memory_space<hbm>>
    tpu.enqueue_dma source(%dma_start3A_20 : memref<128xi32, #tpu.memory_space<hbm>>) target(%arg7 : memref<128xi32, #tpu.memory_space<vmem>>) target_semaphore(%arg15 : memref<!tpu.dma_semaphore, #tpu.memory_space<semaphore_mem>>)
    %dma_start3A_21 = arith.constant 1 : i32
    %dma_start3A_22 = arith.constant 0 : i32
    %dma_start3A_23 = tpu.memref_slice %arg4[%add3A, %dma_start3A_21, %dma_start3A_22] : memref<32x80x128xi32, #tpu.memory_space<hbm>> -> memref<1x1x128xi32, #tpu.memory_space<hbm>>
    %dma_start3A_24 = tpu.memref_squeeze %dma_start3A_23 : memref<1x1x128xi32, #tpu.memory_space<hbm>> -> memref<128xi32, #tpu.memory_space<hbm>>
    %dma_start3A_25 = arith.constant 0 : i32
    %dma_start3A_26 = tpu.memref_slice %arg4[%add3A, %dma_start3A_21, %dma_start3A_25] : memref<32x80x128xi32, #tpu.memory_space<hbm>> -> memref<1x1x128xi32, #tpu.memory_space<hbm>>
    %dma_start3A_27 = tpu.memref_squeeze %dma_start3A_26 : memref<1x1x128xi32, #tpu.memory_space<hbm>> -> memref<128xi32, #tpu.memory_space<hbm>>
    tpu.enqueue_dma source(%dma_start3A_27 : memref<128xi32, #tpu.memory_space<hbm>>) target(%arg8 : memref<128xi32, #tpu.memory_space<vmem>>) target_semaphore(%arg16 : memref<!tpu.dma_semaphore, #tpu.memory_space<semaphore_mem>>)
    %dma_start3A_28 = arith.constant 0 : i32
    %dma_start3A_29 = arith.constant 0 : i32
    %dma_start3A_30 = tpu.memref_slice %arg6[%dma_start3A_28, %dma_start3A_29] : memref<80x128xi32, #tpu.memory_space<vmem>> -> memref<1x128xi32, #tpu.memory_space<vmem>>
    %dma_start3A_31 = tpu.memref_squeeze %dma_start3A_30 : memref<1x128xi32, #tpu.memory_space<vmem>> -> memref<128xi32, #tpu.memory_space<vmem>>
    %dma_start3A_32 = arith.constant 0 : i32
    %dma_start3A_33 = arith.constant 0 : i32
    %dma_start3A_34 = tpu.memref_slice %arg2[%dma_start3A_32, %dma_start3A_33] : memref<10240x128xf32, #tpu.memory_space<hbm>> -> memref<10240x128xf32, #tpu.memory_space<hbm>>
    tpu.enqueue_indirect_dma source(%dma_start3A_34 : memref<10240x128xf32, #tpu.memory_space<hbm>>) target(%arg9 : memref<128x128xf32, #tpu.memory_space<vmem>>) offsets(%dma_start3A_31 : memref<128xi32, #tpu.memory_space<vmem>>) semaphore(%arg13 : memref<!tpu.dma_semaphore, #tpu.memory_space<semaphore_mem>>)
    %scan3A_35 = arith.constant 0 : i32
    %scan3A_36 = arith.constant 0 : i32
    %scan3A_37 = arith.constant 40 : i32
    %scan3A_38 = arith.addi %scan3A_36, %scan3A_37 : i32
    %scan3A_39 = arith.constant 1 : i32
    %scan3A_40 = scf.for %scan3A_47 = %scan3A_36 to %scan3A_38 step %scan3A_39 iter_args(%scan3A_48 = %scan3A_35) -> (i32)  : i32 {
      %mul3A_49 = arith.constant 2 : i32
      %mul3A_50 = arith.muli %scan3A_47, %mul3A_49 : i32
      %add3A_51 = arith.constant 1 : i32
      %add3A_52 = arith.addi %mul3A_50, %add3A_51 : i32
      %dma_start3A_53 = arith.constant 0 : i32
      %dma_start3A_54 = tpu.memref_slice %arg6[%add3A_52, %dma_start3A_53] : memref<80x128xi32, #tpu.memory_space<vmem>> -> memref<1x128xi32, #tpu.memory_space<vmem>>
      %dma_start3A_55 = tpu.memref_squeeze %dma_start3A_54 : memref<1x128xi32, #tpu.memory_space<vmem>> -> memref<128xi32, #tpu.memory_space<vmem>>
      %dma_start3A_56 = arith.constant 0 : i32
      %dma_start3A_57 = arith.constant 0 : i32
      %dma_start3A_58 = tpu.memref_slice %arg2[%dma_start3A_56, %dma_start3A_57] : memref<10240x128xf32, #tpu.memory_space<hbm>> -> memref<10240x128xf32, #tpu.memory_space<hbm>>
      tpu.enqueue_indirect_dma source(%dma_start3A_58 : memref<10240x128xf32, #tpu.memory_space<hbm>>) target(%arg10 : memref<128x128xf32, #tpu.memory_space<vmem>>) offsets(%dma_start3A_55 : memref<128xi32, #tpu.memory_space<vmem>>) semaphore(%arg14 : memref<!tpu.dma_semaphore, #tpu.memory_space<semaphore_mem>>)
      %dma_wait3A = arith.constant 0 : i32
      %dma_wait3A_59 = tpu.memref_slice %arg6[%mul3A_50, %dma_wait3A] : memref<80x128xi32, #tpu.memory_space<vmem>> -> memref<1x128xi32, #tpu.memory_space<vmem>>
      %dma_wait3A_60 = tpu.memref_squeeze %dma_wait3A_59 : memref<1x128xi32, #tpu.memory_space<vmem>> -> memref<128xi32, #tpu.memory_space<vmem>>
      %dma_wait3A_61 = arith.constant 0 : i32
      %dma_wait3A_62 = arith.constant 0 : i32
      %dma_wait3A_63 = tpu.memref_slice %arg2[%dma_wait3A_61, %dma_wait3A_62] : memref<10240x128xf32, #tpu.memory_space<hbm>> -> memref<10240x128xf32, #tpu.memory_space<hbm>>
      tpu.wait_indirect_dma semaphore(%arg13 : memref<!tpu.dma_semaphore, #tpu.memory_space<semaphore_mem>>) src(%dma_wait3A_63 : memref<10240x128xf32, #tpu.memory_space<hbm>>) dst(%arg9 : memref<128x128xf32, #tpu.memory_space<vmem>>)
      %dma_wait3A_64 = arith.constant 0 : i32
      %dma_wait3A_65 = tpu.memref_slice %arg4[%add3A, %mul3A_50, %dma_wait3A_64] : memref<32x80x128xi32, #tpu.memory_space<hbm>> -> memref<1x1x128xi32, #tpu.memory_space<hbm>>
      %dma_wait3A_66 = tpu.memref_squeeze %dma_wait3A_65 : memref<1x1x128xi32, #tpu.memory_space<hbm>> -> memref<128xi32, #tpu.memory_space<hbm>>
      %dma_wait3A_67 = arith.constant 0 : i32
      %dma_wait3A_68 = tpu.memref_slice %arg4[%add3A, %mul3A_50, %dma_wait3A_67] : memref<32x80x128xi32, #tpu.memory_space<hbm>> -> memref<1x1x128xi32, #tpu.memory_space<hbm>>
      %dma_wait3A_69 = tpu.memref_squeeze %dma_wait3A_68 : memref<1x1x128xi32, #tpu.memory_space<hbm>> -> memref<128xi32, #tpu.memory_space<hbm>>
      tpu.wait_dma2 semaphore(%arg15 : memref<!tpu.dma_semaphore, #tpu.memory_space<semaphore_mem>>) src(%dma_wait3A_69 : memref<128xi32, #tpu.memory_space<hbm>>) dst(%arg7 : memref<128xi32, #tpu.memory_space<vmem>>)
      "tpu.region"() ({
        %run_scoped3A = tpu.sem_alloc : memref<!tpu.dma_semaphore, #tpu.memory_space<semaphore_mem>>
        %dma_start3A_94 = arith.constant 0 : i32
        %dma_start3A_95 = arith.constant 0 : i32
        %dma_start3A_96 = tpu.memref_slice %arg12[%dma_start3A_94, %dma_start3A_95] : memref<10240x128xf32, #tpu.memory_space<vmem_shared>> -> memref<10240x128xf32, #tpu.memory_space<vmem_shared>>
        tpu.enqueue_indirect_dma source(%arg9 : memref<128x128xf32, #tpu.memory_space<vmem>>) target(%dma_start3A_96 : memref<10240x128xf32, #tpu.memory_space<vmem_shared>>) offsets(%arg7 : memref<128xi32, #tpu.memory_space<vmem>>) semaphore(%run_scoped3A : memref<!tpu.dma_semaphore, #tpu.memory_space<semaphore_mem>>) {add = true}
        %dma_wait3A_97 = arith.constant 0 : i32
        %dma_wait3A_98 = arith.constant 0 : i32
        %dma_wait3A_99 = tpu.memref_slice %arg12[%dma_wait3A_97, %dma_wait3A_98] : memref<10240x128xf32, #tpu.memory_space<vmem_shared>> -> memref<10240x128xf32, #tpu.memory_space<vmem_shared>>
        tpu.wait_indirect_dma semaphore(%run_scoped3A : memref<!tpu.dma_semaphore, #tpu.memory_space<semaphore_mem>>) src(%arg9 : memref<128x128xf32, #tpu.memory_space<vmem>>) dst(%dma_wait3A_99 : memref<10240x128xf32, #tpu.memory_space<vmem_shared>>)
        tpu.yield
      }) : () -> ()
      %lt3A = arith.constant 39 : i32
      %lt3A_70 = arith.cmpi slt, %scan3A_47, %lt3A : i32
      %convert_element_type3A = arith.extui %lt3A_70 : i1 to i32
      %cond3A = arith.constant 0 : i32
      %cond3A_71 = arith.cmpi ne, %convert_element_type3A, %cond3A : i32
      scf.if %cond3A_71 {
        %add3A_94 = arith.constant 2 : i32
        %add3A_95 = arith.addi %mul3A_50, %add3A_94 : i32
        %dma_start3A_96 = arith.constant 0 : i32
        %dma_start3A_97 = tpu.memref_slice %arg4[%add3A, %add3A_95, %dma_start3A_96] : memref<32x80x128xi32, #tpu.memory_space<hbm>> -> memref<1x1x128xi32, #tpu.memory_space<hbm>>
        %dma_start3A_98 = tpu.memref_squeeze %dma_start3A_97 : memref<1x1x128xi32, #tpu.memory_space<hbm>> -> memref<128xi32, #tpu.memory_space<hbm>>
        %dma_start3A_99 = arith.constant 0 : i32
        %dma_start3A_100 = tpu.memref_slice %arg4[%add3A, %add3A_95, %dma_start3A_99] : memref<32x80x128xi32, #tpu.memory_space<hbm>> -> memref<1x1x128xi32, #tpu.memory_space<hbm>>
        %dma_start3A_101 = tpu.memref_squeeze %dma_start3A_100 : memref<1x1x128xi32, #tpu.memory_space<hbm>> -> memref<128xi32, #tpu.memory_space<hbm>>
        tpu.enqueue_dma source(%dma_start3A_101 : memref<128xi32, #tpu.memory_space<hbm>>) target(%arg7 : memref<128xi32, #tpu.memory_space<vmem>>) target_semaphore(%arg15 : memref<!tpu.dma_semaphore, #tpu.memory_space<semaphore_mem>>)
        %add3A_102 = arith.constant 2 : i32
        %add3A_103 = arith.addi %mul3A_50, %add3A_102 : i32
        %dma_start3A_104 = arith.constant 0 : i32
        %dma_start3A_105 = tpu.memref_slice %arg6[%add3A_103, %dma_start3A_104] : memref<80x128xi32, #tpu.memory_space<vmem>> -> memref<1x128xi32, #tpu.memory_space<vmem>>
        %dma_start3A_106 = tpu.memref_squeeze %dma_start3A_105 : memref<1x128xi32, #tpu.memory_space<vmem>> -> memref<128xi32, #tpu.memory_space<vmem>>
        %dma_start3A_107 = arith.constant 0 : i32
        %dma_start3A_108 = arith.constant 0 : i32
        %dma_start3A_109 = tpu.memref_slice %arg2[%dma_start3A_107, %dma_start3A_108] : memref<10240x128xf32, #tpu.memory_space<hbm>> -> memref<10240x128xf32, #tpu.memory_space<hbm>>
        tpu.enqueue_indirect_dma source(%dma_start3A_109 : memref<10240x128xf32, #tpu.memory_space<hbm>>) target(%arg9 : memref<128x128xf32, #tpu.memory_space<vmem>>) offsets(%dma_start3A_106 : memref<128xi32, #tpu.memory_space<vmem>>) semaphore(%arg13 : memref<!tpu.dma_semaphore, #tpu.memory_space<semaphore_mem>>)
      } else {
      }
      %add3A_72 = arith.constant 1 : i32
      %add3A_73 = arith.addi %mul3A_50, %add3A_72 : i32
      %dma_wait3A_74 = arith.constant 0 : i32
      %dma_wait3A_75 = tpu.memref_slice %arg6[%add3A_73, %dma_wait3A_74] : memref<80x128xi32, #tpu.memory_space<vmem>> -> memref<1x128xi32, #tpu.memory_space<vmem>>
      %dma_wait3A_76 = tpu.memref_squeeze %dma_wait3A_75 : memref<1x128xi32, #tpu.memory_space<vmem>> -> memref<128xi32, #tpu.memory_space<vmem>>
      %dma_wait3A_77 = arith.constant 0 : i32
      %dma_wait3A_78 = arith.constant 0 : i32
      %dma_wait3A_79 = tpu.memref_slice %arg2[%dma_wait3A_77, %dma_wait3A_78] : memref<10240x128xf32, #tpu.memory_space<hbm>> -> memref<10240x128xf32, #tpu.memory_space<hbm>>
      tpu.wait_indirect_dma semaphore(%arg14 : memref<!tpu.dma_semaphore, #tpu.memory_space<semaphore_mem>>) src(%dma_wait3A_79 : memref<10240x128xf32, #tpu.memory_space<hbm>>) dst(%arg10 : memref<128x128xf32, #tpu.memory_space<vmem>>)
      %add3A_80 = arith.constant 1 : i32
      %add3A_81 = arith.addi %mul3A_50, %add3A_80 : i32
      %dma_wait3A_82 = arith.constant 0 : i32
      %dma_wait3A_83 = tpu.memref_slice %arg4[%add3A, %add3A_81, %dma_wait3A_82] : memref<32x80x128xi32, #tpu.memory_space<hbm>> -> memref<1x1x128xi32, #tpu.memory_space<hbm>>
      %dma_wait3A_84 = tpu.memref_squeeze %dma_wait3A_83 : memref<1x1x128xi32, #tpu.memory_space<hbm>> -> memref<128xi32, #tpu.memory_space<hbm>>
      %dma_wait3A_85 = arith.constant 0 : i32
      %dma_wait3A_86 = tpu.memref_slice %arg4[%add3A, %add3A_81, %dma_wait3A_85] : memref<32x80x128xi32, #tpu.memory_space<hbm>> -> memref<1x1x128xi32, #tpu.memory_space<hbm>>
      %dma_wait3A_87 = tpu.memref_squeeze %dma_wait3A_86 : memref<1x1x128xi32, #tpu.memory_space<hbm>> -> memref<128xi32, #tpu.memory_space<hbm>>
      tpu.wait_dma2 semaphore(%arg16 : memref<!tpu.dma_semaphore, #tpu.memory_space<semaphore_mem>>) src(%dma_wait3A_87 : memref<128xi32, #tpu.memory_space<hbm>>) dst(%arg8 : memref<128xi32, #tpu.memory_space<vmem>>)
      "tpu.region"() ({
        %run_scoped3A = tpu.sem_alloc : memref<!tpu.dma_semaphore, #tpu.memory_space<semaphore_mem>>
        %dma_start3A_94 = arith.constant 0 : i32
        %dma_start3A_95 = arith.constant 0 : i32
        %dma_start3A_96 = tpu.memref_slice %arg12[%dma_start3A_94, %dma_start3A_95] : memref<10240x128xf32, #tpu.memory_space<vmem_shared>> -> memref<10240x128xf32, #tpu.memory_space<vmem_shared>>
        tpu.enqueue_indirect_dma source(%arg10 : memref<128x128xf32, #tpu.memory_space<vmem>>) target(%dma_start3A_96 : memref<10240x128xf32, #tpu.memory_space<vmem_shared>>) offsets(%arg8 : memref<128xi32, #tpu.memory_space<vmem>>) semaphore(%run_scoped3A : memref<!tpu.dma_semaphore, #tpu.memory_space<semaphore_mem>>) {add = true}
        %dma_wait3A_97 = arith.constant 0 : i32
        %dma_wait3A_98 = arith.constant 0 : i32
        %dma_wait3A_99 = tpu.memref_slice %arg12[%dma_wait3A_97, %dma_wait3A_98] : memref<10240x128xf32, #tpu.memory_space<vmem_shared>> -> memref<10240x128xf32, #tpu.memory_space<vmem_shared>>
        tpu.wait_indirect_dma semaphore(%run_scoped3A : memref<!tpu.dma_semaphore, #tpu.memory_space<semaphore_mem>>) src(%arg10 : memref<128x128xf32, #tpu.memory_space<vmem>>) dst(%dma_wait3A_99 : memref<10240x128xf32, #tpu.memory_space<vmem_shared>>)
        tpu.yield
      }) : () -> ()
      %lt3A_88 = arith.constant 39 : i32
      %lt3A_89 = arith.cmpi slt, %scan3A_47, %lt3A_88 : i32
      %convert_element_type3A_90 = arith.extui %lt3A_89 : i1 to i32
      %cond3A_91 = arith.constant 0 : i32
      %cond3A_92 = arith.cmpi ne, %convert_element_type3A_90, %cond3A_91 : i32
      scf.if %cond3A_92 {
        %add3A_94 = arith.constant 3 : i32
        %add3A_95 = arith.addi %mul3A_50, %add3A_94 : i32
        %dma_start3A_96 = arith.constant 0 : i32
        %dma_start3A_97 = tpu.memref_slice %arg4[%add3A, %add3A_95, %dma_start3A_96] : memref<32x80x128xi32, #tpu.memory_space<hbm>> -> memref<1x1x128xi32, #tpu.memory_space<hbm>>
        %dma_start3A_98 = tpu.memref_squeeze %dma_start3A_97 : memref<1x1x128xi32, #tpu.memory_space<hbm>> -> memref<128xi32, #tpu.memory_space<hbm>>
        %dma_start3A_99 = arith.constant 0 : i32
        %dma_start3A_100 = tpu.memref_slice %arg4[%add3A, %add3A_95, %dma_start3A_99] : memref<32x80x128xi32, #tpu.memory_space<hbm>> -> memref<1x1x128xi32, #tpu.memory_space<hbm>>
        %dma_start3A_101 = tpu.memref_squeeze %dma_start3A_100 : memref<1x1x128xi32, #tpu.memory_space<hbm>> -> memref<128xi32, #tpu.memory_space<hbm>>
        tpu.enqueue_dma source(%dma_start3A_101 : memref<128xi32, #tpu.memory_space<hbm>>) target(%arg8 : memref<128xi32, #tpu.memory_space<vmem>>) target_semaphore(%arg16 : memref<!tpu.dma_semaphore, #tpu.memory_space<semaphore_mem>>)
      } else {
      }
      %scan3A_93 = arith.constant 0 : i32
      scf.yield %scan3A_93 : i32
    }
    %scan3A_41 = arith.constant 40 : i32
    %barrier3A_42 = arith.constant 0 : index
    tpu.barrier barrier_id(%barrier3A_42)
    %mul3A_43 = arith.constant 640 : i32
    %mul3A_44 = arith.muli %arg1, %mul3A_43 : i32
    %mul3A_45 = arith.constant 640 : i32
    %mul3A_46 = arith.muli %arg1, %mul3A_45 : i32
    "tpu.region"() ({
      %run_scoped3A = tpu.sem_alloc : memref<!tpu.dma_semaphore, #tpu.memory_space<semaphore_mem>>
      %dma_start3A_47 = arith.constant 0 : i32
      %dma_start3A_48 = tpu.memref_slice %arg5[%arg0, %mul3A_46, %dma_start3A_47] : memref<2x10240x128xf32, #tpu.memory_space<hbm>> -> memref<1x640x128xf32, #tpu.memory_space<hbm>>
      %dma_start3A_49 = tpu.memref_squeeze %dma_start3A_48 : memref<1x640x128xf32, #tpu.memory_space<hbm>> -> memref<640x128xf32, #tpu.memory_space<hbm>>
      %dma_start3A_50 = arith.constant 0 : i32
      %dma_start3A_51 = tpu.memref_slice %arg12[%mul3A_44, %dma_start3A_50] : memref<10240x128xf32, #tpu.memory_space<vmem_shared>> -> memref<640x128xf32, #tpu.memory_space<vmem_shared>>
      tpu.enqueue_dma source(%dma_start3A_51 : memref<640x128xf32, #tpu.memory_space<vmem_shared>>) target(%dma_start3A_49 : memref<640x128xf32, #tpu.memory_space<hbm>>) target_semaphore(%run_scoped3A : memref<!tpu.dma_semaphore, #tpu.memory_space<semaphore_mem>>)
      %dma_wait3A = arith.constant 0 : i32
      %dma_wait3A_52 = tpu.memref_slice %arg5[%arg0, %mul3A_46, %dma_wait3A] : memref<2x10240x128xf32, #tpu.memory_space<hbm>> -> memref<1x640x128xf32, #tpu.memory_space<hbm>>
      %dma_wait3A_53 = tpu.memref_squeeze %dma_wait3A_52 : memref<1x640x128xf32, #tpu.memory_space<hbm>> -> memref<640x128xf32, #tpu.memory_space<hbm>>
      %dma_wait3A_54 = arith.constant 0 : i32
      %dma_wait3A_55 = tpu.memref_slice %arg12[%mul3A_44, %dma_wait3A_54] : memref<10240x128xf32, #tpu.memory_space<vmem_shared>> -> memref<640x128xf32, #tpu.memory_space<vmem_shared>>
      tpu.wait_dma2 semaphore(%run_scoped3A : memref<!tpu.dma_semaphore, #tpu.memory_space<semaphore_mem>>) src(%dma_wait3A_55 : memref<640x128xf32, #tpu.memory_space<vmem_shared>>) dst(%dma_wait3A_53 : memref<640x128xf32, #tpu.memory_space<hbm>>)
      tpu.yield
    }) : () -> ()
    return
  }
}

module attributes {stable_mosaic.version = 14 : i64} {
  func.func @body(%arg0: i32, %arg1: memref<2048x128xf32, #tpu.memory_space<vmem>>, %arg2: memref<128x128xf32, #tpu.memory_space<vmem>>, %arg3: memref<2x2048xf32, #tpu.memory_space<vmem>>, %arg4: memref<2048x128xf32, #tpu.memory_space<vmem>>) attributes {dimension_semantics = [#tpu.dimension_semantics<arbitrary>], iteration_bounds = array<i64: 5>, scalar_prefetch = 0 : i64, scratch_operands = 0 : i64, tpu.core_type = #tpu.core_type<tc>, window_params = [{transform_indices = @transform_0, window_bounds = array<i64: 2048, 128>}, {pipeline_mode = #tpu.pipeline_mode<synchronous>, transform_indices = @transform_1, window_bounds = array<i64: 128, 128>}, {transform_indices = @transform_2, window_bounds = array<i64: 2, 2048>}, {transform_indices = @transform_3, window_bounds = array<i64: 2048, 128>}]} {
    %get3A = arith.constant 0 : index
    %get3A_0 = arith.constant 0 : index
    %get3A_1 = vector.load %arg3[%get3A, %get3A_0] : memref<2x2048xf32, #tpu.memory_space<vmem>>, vector<1x2048xf32>
    %get3A_2 = vector.shape_cast %get3A_1 : vector<1x2048xf32> to vector<2048xf32>
    %get3A_3 = arith.constant 1 : index
    %get3A_4 = arith.constant 0 : index
    %get3A_5 = vector.load %arg3[%get3A_3, %get3A_4] : memref<2x2048xf32, #tpu.memory_space<vmem>>, vector<1x2048xf32>
    %get3A_6 = vector.shape_cast %get3A_5 : vector<1x2048xf32> to vector<2048xf32>
    %add3A = arith.addf %get3A_2, %get3A_6 : vector<2048xf32>
    %add3A_7 = arith.constant 1.000000e+00 : f32
    %add3A_8 = vector.broadcast %add3A_7 : f32 to vector<2048xf32>
    %add3A_9 = arith.addf %add3A, %add3A_8 : vector<2048xf32>
    %rsqrt3A = math.rsqrt %add3A_9 : vector<2048xf32>
    %broadcast_in_dim3A = vector.shape_cast %rsqrt3A : vector<2048xf32> to vector<2048x1xf32>
    %get3A_10 = arith.constant 0 : index
    %get3A_11 = arith.constant 0 : index
    %get3A_12 = vector.load %arg1[%get3A_10, %get3A_11] : memref<2048x128xf32, #tpu.memory_space<vmem>>, vector<2048x128xf32>
    %get3A_13 = arith.constant 0 : index
    %get3A_14 = arith.constant 0 : index
    %get3A_15 = vector.load %arg2[%get3A_13, %get3A_14] : memref<128x128xf32, #tpu.memory_space<vmem>>, vector<128x128xf32>
    %dot_general3A = arith.constant dense<0.000000e+00> : vector<2048x128xf32>
    %dot_general3A_16 = tpu.matmul %get3A_12, %get3A_15, %dot_general3A {dimension_numbers = #tpu.dot_dimension_numbers<[1], [0], [0], [1], [0, 0, 1, 1], [], []>, transpose_lhs_hint = false} : vector<2048x128xf32>, vector<128x128xf32>, vector<2048x128xf32> -> vector<2048x128xf32>
    %mul3A = vector.broadcast %broadcast_in_dim3A : vector<2048x1xf32> to vector<2048x128xf32>
    %mul3A_17 = arith.mulf %dot_general3A_16, %mul3A : vector<2048x128xf32>
    %swap3A = arith.constant 0 : index
    %swap3A_18 = arith.constant 0 : index
    %swap3A_19 = vector.load %arg4[%swap3A, %swap3A_18] : memref<2048x128xf32, #tpu.memory_space<vmem>>, vector<2048x128xf32>
    tpu.vector_store %arg4[%swap3A, %swap3A_18], %mul3A_17 {strides = array<i32>} : memref<2048x128xf32, #tpu.memory_space<vmem>>, vector<2048x128xf32>,
    return
  }
  func.func @transform_0(%arg0: i32) -> (i32, i32) {
    %c0_i32 = arith.constant 0 : i32
    %c0_i32_0 = arith.constant 0 : i32
    return %arg0, %c0_i32 : i32, i32
  }
  func.func @transform_1(%arg0: i32) -> (i32, i32) {
    %c0_i32 = arith.constant 0 : i32
    %c0_i32_0 = arith.constant 0 : i32
    %c0_i32_1 = arith.constant 0 : i32
    return %c0_i32, %c0_i32_0 : i32, i32
  }
  func.func @transform_2(%arg0: i32) -> (i32, i32) {
    %c0_i32 = arith.constant 0 : i32
    %c0_i32_0 = arith.constant 0 : i32
    return %c0_i32, %arg0 : i32, i32
  }
  func.func @transform_3(%arg0: i32) -> (i32, i32) {
    %c0_i32 = arith.constant 0 : i32
    %c0_i32_0 = arith.constant 0 : i32
    return %arg0, %c0_i32 : i32, i32
  }
}

module attributes {stable_mosaic.version = 14 : i64} {
  func.func @body(%arg0: i32, %arg1: memref<2x2048x128xf32, #tpu.memory_space<vmem>>, %arg2: memref<2048x128xf32, #tpu.memory_space<vmem>>, %arg3: memref<2x2048xf32, #tpu.memory_space<vmem>>, %arg4: memref<1x128xf32, #tpu.memory_space<vmem>>, %arg5: memref<2048x128xf32, #tpu.memory_space<vmem>>, %arg6: memref<2x128xf32, #tpu.memory_space<vmem>>, %arg7: memref<2x128xf32, #tpu.memory_space<vmem>>) attributes {dimension_semantics = [#tpu.dimension_semantics<arbitrary>], iteration_bounds = array<i64: 5>, scalar_prefetch = 0 : i64, scratch_operands = 1 : i64, tpu.core_type = #tpu.core_type<tc>, window_params = [{transform_indices = @transform_0, window_bounds = array<i64: 2, 2048, 128>}, {transform_indices = @transform_1, window_bounds = array<i64: 2048, 128>}, {transform_indices = @transform_2, window_bounds = array<i64: 2, 2048>}, {pipeline_mode = #tpu.pipeline_mode<synchronous>, transform_indices = @transform_3, window_bounds = array<i64: 1, 128>}, {transform_indices = @transform_4, window_bounds = array<i64: 2048, 128>}, {pipeline_mode = #tpu.pipeline_mode<synchronous>, transform_indices = @transform_5, window_bounds = array<i64: 2, 128>}]} {
    %get3A = arith.constant 0 : index
    %get3A_0 = arith.constant 0 : index
    %get3A_1 = vector.load %arg3[%get3A, %get3A_0] : memref<2x2048xf32, #tpu.memory_space<vmem>>, vector<1x2048xf32>
    %get3A_2 = vector.shape_cast %get3A_1 : vector<1x2048xf32> to vector<2048xf32>
    %get3A_3 = arith.constant 1 : index
    %get3A_4 = arith.constant 0 : index
    %get3A_5 = vector.load %arg3[%get3A_3, %get3A_4] : memref<2x2048xf32, #tpu.memory_space<vmem>>, vector<1x2048xf32>
    %get3A_6 = vector.shape_cast %get3A_5 : vector<1x2048xf32> to vector<2048xf32>
    %add3A = arith.addf %get3A_2, %get3A_6 : vector<2048xf32>
    %add3A_7 = arith.constant 1.000000e+00 : f32
    %add3A_8 = vector.broadcast %add3A_7 : f32 to vector<2048xf32>
    %add3A_9 = arith.addf %add3A, %add3A_8 : vector<2048xf32>
    %rsqrt3A = math.rsqrt %add3A_9 : vector<2048xf32>
    %broadcast_in_dim3A = vector.shape_cast %rsqrt3A : vector<2048xf32> to vector<2048x1xf32>
    %get3A_10 = arith.constant 0 : index
    %get3A_11 = arith.constant 0 : index
    %get3A_12 = arith.constant 0 : index
    %get3A_13 = vector.load %arg1[%get3A_10, %get3A_11, %get3A_12] : memref<2x2048x128xf32, #tpu.memory_space<vmem>>, vector<1x2048x128xf32>
    %get3A_14 = vector.shape_cast %get3A_13 : vector<1x2048x128xf32> to vector<2048x128xf32>
    %get3A_15 = arith.constant 1 : index
    %get3A_16 = arith.constant 0 : index
    %get3A_17 = arith.constant 0 : index
    %get3A_18 = vector.load %arg1[%get3A_15, %get3A_16, %get3A_17] : memref<2x2048x128xf32, #tpu.memory_space<vmem>>, vector<1x2048x128xf32>
    %get3A_19 = vector.shape_cast %get3A_18 : vector<1x2048x128xf32> to vector<2048x128xf32>
    %add3A_20 = arith.addf %get3A_14, %get3A_19 : vector<2048x128xf32>
    %get3A_21 = arith.constant 0 : index
    %get3A_22 = arith.constant 0 : index
    %get3A_23 = vector.load %arg2[%get3A_21, %get3A_22] : memref<2048x128xf32, #tpu.memory_space<vmem>>, vector<2048x128xf32>
    %add3A_24 = arith.addf %add3A_20, %get3A_23 : vector<2048x128xf32>
    %mul3A = vector.broadcast %broadcast_in_dim3A : vector<2048x1xf32> to vector<2048x128xf32>
    %mul3A_25 = arith.mulf %add3A_24, %mul3A : vector<2048x128xf32>
    %get3A_26 = arith.constant 0 : index
    %get3A_27 = arith.constant 0 : index
    %get3A_28 = vector.load %arg4[%get3A_26, %get3A_27] : memref<1x128xf32, #tpu.memory_space<vmem>>, vector<1x128xf32>
    %add3A_29 = vector.broadcast %get3A_28 : vector<1x128xf32> to vector<2048x128xf32>
    %add3A_30 = arith.addf %mul3A_25, %add3A_29 : vector<2048x128xf32>
    %swap3A = arith.constant 0 : index
    %swap3A_31 = arith.constant 0 : index
    %swap3A_32 = vector.load %arg5[%swap3A, %swap3A_31] : memref<2048x128xf32, #tpu.memory_space<vmem>>, vector<2048x128xf32>
    tpu.vector_store %arg5[%swap3A, %swap3A_31], %add3A_30 {strides = array<i32>} : memref<2048x128xf32, #tpu.memory_space<vmem>>, vector<2048x128xf32>,
    %iota3A = tpu.iota {dimensions = array<i32: 0>} : vector<2048x1xi32>
    %mul3A_33 = arith.constant 2048 : i32
    %mul3A_34 = arith.muli %arg0, %mul3A_33 : i32
    %add3A_35 = vector.broadcast %mul3A_34 : i32 to vector<2048x1xi32>
    %add3A_36 = arith.addi %iota3A, %add3A_35 : vector<2048x1xi32>
    %lt3A = arith.constant 10000 : i32
    %lt3A_37 = vector.broadcast %lt3A : i32 to vector<2048x1xi32>
    %lt3A_38 = arith.cmpi slt, %add3A_36, %lt3A_37 : vector<2048x1xi32>
    %jit3A = arith.constant 0.000000e+00 : f32
    %broadcast_in_dim3A_39 = vector.shape_cast %lt3A_38 : vector<2048x1xi1> to vector<2048x1xi1>
    %broadcast_in_dim3A_40 = vector.broadcast %broadcast_in_dim3A_39 : vector<2048x1xi1> to vector<2048x128xi1>
    %broadcast_in_dim3A_41 = vector.broadcast %jit3A : f32 to vector<2048x128xf32>
    %select_n3A = arith.select %broadcast_in_dim3A_40, %add3A_30, %broadcast_in_dim3A_41 : vector<2048x128xi1>, vector<2048x128xf32>
    %eq3A = arith.constant 0 : i32
    %eq3A_42 = arith.cmpi eq, %arg0, %eq3A : i32
    %convert_element_type3A = arith.extui %eq3A_42 : i1 to i32
    %cond3A = arith.constant 0 : i32
    %cond3A_43 = arith.cmpi ne, %convert_element_type3A, %cond3A : i32
    scf.if %cond3A_43 {
      %broadcast_in_dim3A_73 = arith.constant 0.000000e+00 : f32
      %broadcast_in_dim3A_74 = vector.broadcast %broadcast_in_dim3A_73 : f32 to vector<2x128xf32>
      %swap3A_75 = arith.constant 0 : index
      %swap3A_76 = arith.constant 0 : index
      %swap3A_77 = vector.load %arg7[%swap3A_75, %swap3A_76] : memref<2x128xf32, #tpu.memory_space<vmem>>, vector<2x128xf32>
      tpu.vector_store %arg7[%swap3A_75, %swap3A_76], %broadcast_in_dim3A_74 {strides = array<i32>} : memref<2x128xf32, #tpu.memory_space<vmem>>, vector<2x128xf32>,
    } else {
    }
    %get3A_44 = arith.constant 0 : index
    %get3A_45 = arith.constant 0 : index
    %get3A_46 = vector.load %arg7[%get3A_44, %get3A_45] : memref<2x128xf32, #tpu.memory_space<vmem>>, vector<1x128xf32>
    %get3A_47 = vector.shape_cast %get3A_46 : vector<1x128xf32> to vector<128xf32>
    %reduce_sum3A = arith.constant dense<0.000000e+00> : vector<128xf32>
    %reduce_sum3A_48 = vector.multi_reduction <add>, %select_n3A, %reduce_sum3A [0] : vector<2048x128xf32> to vector<128xf32>
    %add3A_49 = arith.addf %get3A_47, %reduce_sum3A_48 : vector<128xf32>
    %swap3A_50 = arith.constant 0 : index
    %swap3A_51 = arith.constant 0 : index
    %swap3A_52 = vector.load %arg7[%swap3A_50, %swap3A_51] : memref<2x128xf32, #tpu.memory_space<vmem>>, vector<1x128xf32>
    %swap3A_53 = vector.shape_cast %swap3A_52 : vector<1x128xf32> to vector<128xf32>
    %swap3A_54 = vector.shape_cast %add3A_49 : vector<128xf32> to vector<1x128xf32>
    tpu.vector_store %arg7[%swap3A_50, %swap3A_51], %swap3A_54 {strides = array<i32>} : memref<2x128xf32, #tpu.memory_space<vmem>>, vector<1x128xf32>,
    %get3A_55 = arith.constant 1 : index
    %get3A_56 = arith.constant 0 : index
    %get3A_57 = vector.load %arg7[%get3A_55, %get3A_56] : memref<2x128xf32, #tpu.memory_space<vmem>>, vector<1x128xf32>
    %get3A_58 = vector.shape_cast %get3A_57 : vector<1x128xf32> to vector<128xf32>
    %mul3A_59 = arith.mulf %select_n3A, %select_n3A : vector<2048x128xf32>
    %reduce_sum3A_60 = arith.constant dense<0.000000e+00> : vector<128xf32>
    %reduce_sum3A_61 = vector.multi_reduction <add>, %mul3A_59, %reduce_sum3A_60 [0] : vector<2048x128xf32> to vector<128xf32>
    %add3A_62 = arith.addf %get3A_58, %reduce_sum3A_61 : vector<128xf32>
    %swap3A_63 = arith.constant 1 : index
    %swap3A_64 = arith.constant 0 : index
    %swap3A_65 = vector.load %arg7[%swap3A_63, %swap3A_64] : memref<2x128xf32, #tpu.memory_space<vmem>>, vector<1x128xf32>
    %swap3A_66 = vector.shape_cast %swap3A_65 : vector<1x128xf32> to vector<128xf32>
    %swap3A_67 = vector.shape_cast %add3A_62 : vector<128xf32> to vector<1x128xf32>
    tpu.vector_store %arg7[%swap3A_63, %swap3A_64], %swap3A_67 {strides = array<i32>} : memref<2x128xf32, #tpu.memory_space<vmem>>, vector<1x128xf32>,
    %eq3A_68 = arith.constant 4 : i32
    %eq3A_69 = arith.cmpi eq, %arg0, %eq3A_68 : i32
    %convert_element_type3A_70 = arith.extui %eq3A_69 : i1 to i32
    %cond3A_71 = arith.constant 0 : i32
    %cond3A_72 = arith.cmpi ne, %convert_element_type3A_70, %cond3A_71 : i32
    scf.if %cond3A_72 {
      %get3A_73 = arith.constant 0 : index
      %get3A_74 = arith.constant 0 : index
      %get3A_75 = vector.load %arg7[%get3A_73, %get3A_74] : memref<2x128xf32, #tpu.memory_space<vmem>>, vector<2x128xf32>
      %swap3A_76 = arith.constant 0 : index
      %swap3A_77 = arith.constant 0 : index
      %swap3A_78 = vector.load %arg6[%swap3A_76, %swap3A_77] : memref<2x128xf32, #tpu.memory_space<vmem>>, vector<2x128xf32>
      tpu.vector_store %arg6[%swap3A_76, %swap3A_77], %get3A_75 {strides = array<i32>} : memref<2x128xf32, #tpu.memory_space<vmem>>, vector<2x128xf32>,
    } else {
    }
    return
  }
  func.func @transform_0(%arg0: i32) -> (i32, i32, i32) {
    %c0_i32 = arith.constant 0 : i32
    %c0_i32_0 = arith.constant 0 : i32
    %c0_i32_1 = arith.constant 0 : i32
    return %c0_i32, %arg0, %c0_i32_0 : i32, i32, i32
  }
  func.func @transform_1(%arg0: i32) -> (i32, i32) {
    %c0_i32 = arith.constant 0 : i32
    %c0_i32_0 = arith.constant 0 : i32
    return %arg0, %c0_i32 : i32, i32
  }
  func.func @transform_2(%arg0: i32) -> (i32, i32) {
    %c0_i32 = arith.constant 0 : i32
    %c0_i32_0 = arith.constant 0 : i32
    return %c0_i32, %arg0 : i32, i32
  }
  func.func @transform_3(%arg0: i32) -> (i32, i32) {
    %c0_i32 = arith.constant 0 : i32
    %c0_i32_0 = arith.constant 0 : i32
    %c0_i32_1 = arith.constant 0 : i32
    return %c0_i32, %c0_i32_0 : i32, i32
  }
  func.func @transform_4(%arg0: i32) -> (i32, i32) {
    %c0_i32 = arith.constant 0 : i32
    %c0_i32_0 = arith.constant 0 : i32
    return %arg0, %c0_i32 : i32, i32
  }
  func.func @transform_5(%arg0: i32) -> (i32, i32) {
    %c0_i32 = arith.constant 0 : i32
    %c0_i32_0 = arith.constant 0 : i32
    %c0_i32_1 = arith.constant 0 : i32
    return %c0_i32, %c0_i32_0 : i32, i32
  }
}

module attributes {stable_mosaic.version = 14 : i64} {
  func.func @body(%arg0: i32, %arg1: memref<2000x128xf32, #tpu.memory_space<vmem>>, %arg2: memref<2x128xf32, #tpu.memory_space<vmem>>, %arg3: memref<1x128xf32, #tpu.memory_space<vmem>>, %arg4: memref<1x128xf32, #tpu.memory_space<vmem>>, %arg5: memref<2000x128xf32, #tpu.memory_space<vmem>>) attributes {dimension_semantics = [#tpu.dimension_semantics<arbitrary>], iteration_bounds = array<i64: 5>, scalar_prefetch = 0 : i64, scratch_operands = 0 : i64, tpu.core_type = #tpu.core_type<tc>, window_params = [{transform_indices = @transform_0, window_bounds = array<i64: 2000, 128>}, {pipeline_mode = #tpu.pipeline_mode<synchronous>, transform_indices = @transform_1, window_bounds = array<i64: 2, 128>}, {pipeline_mode = #tpu.pipeline_mode<synchronous>, transform_indices = @transform_2, window_bounds = array<i64: 1, 128>}, {pipeline_mode = #tpu.pipeline_mode<synchronous>, transform_indices = @transform_3, window_bounds = array<i64: 1, 128>}, {transform_indices = @transform_4, window_bounds = array<i64: 2000, 128>}]} {
    %get3A = arith.constant 0 : index
    %get3A_0 = arith.constant 0 : index
    %get3A_1 = vector.load %arg2[%get3A, %get3A_0] : memref<2x128xf32, #tpu.memory_space<vmem>>, vector<1x128xf32>
    %get3A_2 = vector.shape_cast %get3A_1 : vector<1x128xf32> to vector<128xf32>
    %mul3A = arith.constant 9.99999974E-5 : f32
    %mul3A_3 = vector.broadcast %mul3A : f32 to vector<128xf32>
    %mul3A_4 = arith.mulf %get3A_2, %mul3A_3 : vector<128xf32>
    %get3A_5 = arith.constant 1 : index
    %get3A_6 = arith.constant 0 : index
    %get3A_7 = vector.load %arg2[%get3A_5, %get3A_6] : memref<2x128xf32, #tpu.memory_space<vmem>>, vector<1x128xf32>
    %get3A_8 = vector.shape_cast %get3A_7 : vector<1x128xf32> to vector<128xf32>
    %mul3A_9 = arith.constant 9.99999974E-5 : f32
    %mul3A_10 = vector.broadcast %mul3A_9 : f32 to vector<128xf32>
    %mul3A_11 = arith.mulf %get3A_8, %mul3A_10 : vector<128xf32>
    %mul3A_12 = arith.mulf %mul3A_4, %mul3A_4 : vector<128xf32>
    %sub3A = arith.subf %mul3A_11, %mul3A_12 : vector<128xf32>
    %add3A = arith.constant 9.99999974E-6 : f32
    %add3A_13 = vector.broadcast %add3A : f32 to vector<128xf32>
    %add3A_14 = arith.addf %sub3A, %add3A_13 : vector<128xf32>
    %rsqrt3A = math.rsqrt %add3A_14 : vector<128xf32>
    %get3A_15 = arith.constant 0 : index
    %get3A_16 = arith.constant 0 : index
    %get3A_17 = vector.load %arg3[%get3A_15, %get3A_16] : memref<1x128xf32, #tpu.memory_space<vmem>>, vector<1x128xf32>
    %get3A_18 = vector.shape_cast %get3A_17 : vector<1x128xf32> to vector<128xf32>
    %mul3A_19 = arith.mulf %rsqrt3A, %get3A_18 : vector<128xf32>
    %get3A_20 = arith.constant 0 : index
    %get3A_21 = arith.constant 0 : index
    %get3A_22 = vector.load %arg1[%get3A_20, %get3A_21] : memref<2000x128xf32, #tpu.memory_space<vmem>>, vector<2000x128xf32>
    %broadcast_in_dim3A = vector.shape_cast %mul3A_4 : vector<128xf32> to vector<1x128xf32>
    %sub3A_23 = vector.broadcast %broadcast_in_dim3A : vector<1x128xf32> to vector<2000x128xf32>
    %sub3A_24 = arith.subf %get3A_22, %sub3A_23 : vector<2000x128xf32>
    %broadcast_in_dim3A_25 = vector.shape_cast %mul3A_19 : vector<128xf32> to vector<1x128xf32>
    %mul3A_26 = vector.broadcast %broadcast_in_dim3A_25 : vector<1x128xf32> to vector<2000x128xf32>
    %mul3A_27 = arith.mulf %sub3A_24, %mul3A_26 : vector<2000x128xf32>
    %get3A_28 = arith.constant 0 : index
    %get3A_29 = arith.constant 0 : index
    %get3A_30 = vector.load %arg4[%get3A_28, %get3A_29] : memref<1x128xf32, #tpu.memory_space<vmem>>, vector<1x128xf32>
    %get3A_31 = vector.shape_cast %get3A_30 : vector<1x128xf32> to vector<128xf32>
    %broadcast_in_dim3A_32 = vector.shape_cast %get3A_31 : vector<128xf32> to vector<1x128xf32>
    %add3A_33 = vector.broadcast %broadcast_in_dim3A_32 : vector<1x128xf32> to vector<2000x128xf32>
    %add3A_34 = arith.addf %mul3A_27, %add3A_33 : vector<2000x128xf32>
    %max3A = arith.constant 0.000000e+00 : f32
    %max3A_35 = vector.broadcast %max3A : f32 to vector<2000x128xf32>
    %max3A_36 = arith.maximumf %add3A_34, %max3A_35 : vector<2000x128xf32>
    %swap3A = arith.constant 0 : index
    %swap3A_37 = arith.constant 0 : index
    %swap3A_38 = vector.load %arg5[%swap3A, %swap3A_37] : memref<2000x128xf32, #tpu.memory_space<vmem>>, vector<2000x128xf32>
    tpu.vector_store %arg5[%swap3A, %swap3A_37], %max3A_36 {strides = array<i32>} : memref<2000x128xf32, #tpu.memory_space<vmem>>, vector<2000x128xf32>,
    return
  }
  func.func @transform_0(%arg0: i32) -> (i32, i32) {
    %c0_i32 = arith.constant 0 : i32
    %c0_i32_0 = arith.constant 0 : i32
    return %arg0, %c0_i32 : i32, i32
  }
  func.func @transform_1(%arg0: i32) -> (i32, i32) {
    %c0_i32 = arith.constant 0 : i32
    %c0_i32_0 = arith.constant 0 : i32
    %c0_i32_1 = arith.constant 0 : i32
    return %c0_i32, %c0_i32_0 : i32, i32
  }
  func.func @transform_2(%arg0: i32) -> (i32, i32) {
    %c0_i32 = arith.constant 0 : i32
    %c0_i32_0 = arith.constant 0 : i32
    %c0_i32_1 = arith.constant 0 : i32
    return %c0_i32, %c0_i32_0 : i32, i32
  }
  func.func @transform_3(%arg0: i32) -> (i32, i32) {
    %c0_i32 = arith.constant 0 : i32
    %c0_i32_0 = arith.constant 0 : i32
    %c0_i32_1 = arith.constant 0 : i32
    return %c0_i32, %c0_i32_0 : i32, i32
  }
  func.func @transform_4(%arg0: i32) -> (i32, i32) {
    %c0_i32 = arith.constant 0 : i32
    %c0_i32_0 = arith.constant 0 : i32
    return %arg0, %c0_i32 : i32, i32
  }
}

</mosaic_0001>

<sc_bundles>
// kernel: kernel.10.cloned.1.call-start
scs
__scs_entry_jumppad:
0x0: {  	(pc) =	sbr.rel $0x88, $3  }
0x1: {  	(tag) =	ssettag $0x0;
	lr =	simm.s32 $0x1  }
0x2: {  	[smem:$0x3F9B] =	sst lr;
	_ =	strace $0xD0000000  }
0x3: {  	_ = 	snop  }
0x4: {  	_ = 	snop  }
0x5: {  	_ = 	snop  }
0x6: {  	_ = 	snop  }
0x7: {  	_ = 	snop  }
__scs_overlays_trampoline_lowered:
0x8: {  	[smem:$0x3FAA] =	sst s0  }
0x9: {  	[smem:$0x3FAB] =	sst s1  }
0xa: {  	[smem:$0x3FAC] =	sst s2  }
0xb: {  	[smem:$0x3FAD] =	sst s3  }
0xc: {  	[smem:$0x3FAE] =	sst s4  }
0xd: {  	[smem:$0x3FAF] =	sst s5  }
0xe: {  	[smem:$0x3FB0] =	sst s6  }
0xf: {  	[smem:$0x3FB1] =	sst s7  }
0x10: {  	[smem:$0x3FB2] =	sst s8  }
0x11: {  	[smem:$0x3FB3] =	sst s9;
	s0 =	simm.s32 @!p0 $0x0  }
0x12: {  	s1 =	sld [smem:$0x3F99];
	s0 =	simm.s32 @p0 $0x1  }
0x13: {  	[smem:$0x3FB4] =	sst s0;
	s0 =	simm.s32 @!p1 $0x0  }
0x14: {  	s2 =	sld [smem:$0x3F98];
	s0 =	simm.s32 @p1 $0x1  }
0x15: {  	[smem:$0x3FB5] =	sst s0;
	s0 =	simm.s32 @!p2 $0x0  }
0x16: {  	s3 =	sld [smem:$0x3FDB];
	s0 =	simm.s32 @p2 $0x1  }
0x17: {  	s4 =	simm.s32 $0x1BF5;
	[smem:$0x3FB7] =	sst s0  }
0x18: {  	s0 =	sld [smem:$0x3F9A];
	_ =	swait.ge [sflag:s4], $0x0  }
0x19: {  	s7 =	sld [smem:$0x3F9B]  }
0x1a: {  	s8 =	sadd.s32 $0xFFFFE003, lr  }
0x1b: {  	s9 =	sadd.s32 $0xFFFFFEF7, lr;
	s5 =	simm.s32 $0xFFFFFFFF;
	p2 =	slt.u32 s8, $0xFFFFF086  }
0x1c: {  	p1 =	slt.u32 s9, $0xF7A;
	s5 =	simm.s32 @!p2 $0x0  }
0x1d: {  	s5 =	simm.s32 @p1 $0x1;
	p0 =	seq.s32 s7, s2  }
0x1e: {  	s7 =	smul.u32 @!p0 $0xF7A, s2;
	p2 =	seq.s32 @!p0 s5, $0x0  }
0x1f: {  	s9 =	smul.u32 $0xF7A, s1;
	s8 =	simm.s32 @!p0 $0x1BF5;
	p2 =	por !p2, p0  }
0x20: {  	[sflag:s8] =	ssyncset.s32 @!p0 $0xFFFFF086;
	s6 =	sadd.s32 @!p0 s3, s7;
	s7 =	simm.s32 @!p0 $0x108  }
0x21: {  	s3 =	sadd.s32 s3, s9;
	s6 =	sadd.s32 @!p0 $0x88, s6;
	s7 =	simm.s32 @p2 $0x1082  }
0x22: {  	[simem:s7], [sflag:s8] =	dma.local @!p0 [hbm:s6], $0xF7A  }
0x23: {  	s9 =	sor.u32 $0xD0000000, s2;
	s6 =	simm.s32 $0x108;
	_ =	swait.ge @!p0 [sflag:s8], $0x0  }
0x24: {  	s3 =	sadd.s32 $0x88, s3;
	s6 =	simm.s32 @!p1 $0x1082;
	[sflag:s4] =	ssyncset.s32 $0xFFFFF086  }
0x25: {  	[simem:s6], [sflag:s4] =	dma.local [hbm:s3], $0xF7A  }
0x26: {  	[smem:$0x3F9B] =	sst s1;
	(tag) =	ssettag s2;
	_ =	strace s9  }
0x27: {  	s1 =	sld [smem:$0x3FAB]  }
0x28: {  	s2 =	sld [smem:$0x3FAC]  }
0x29: {  	s4 =	sld [smem:$0x3FAE]  }
0x2a: {  	p0 =	seq.s32 s5, $0x0;
	s5 =	sld [smem:$0x3FAF]  }
0x2b: {  	s6 =	sld [smem:$0x3FB0]  }
0x2c: {  	s7 =	sld [smem:$0x3FB1]  }
0x2d: {  	s3 =	simm.s32 $0x108;
	s8 =	sld [smem:$0x3FB2]  }
0x2e: {  	s3 =	simm.s32 @!p0 $0x1082;
	s9 =	sld [smem:$0x3FB3]  }
0x2f: {  	lr =	sadd.s32 s0, s3;
	s0 =	sld [smem:$0x3FAA]  }
0x30: {  	s3 =	sld [smem:$0x3FAD]  }
0x31: {  	[smem:$0x3FB6] =	sst s10  }
0x32: {  	s10 =	sld [smem:$0x3FB4];
	_ =	sdelay $0x3  }
0x33: {  	p0 =	seq.s32 s10, $0x1;
	s10 =	sld [smem:$0x3FB6];
	_ =	sdelay $0x3  }
0x34: {  	[smem:$0x3FB6] =	sst s10  }
0x35: {  	s10 =	sld [smem:$0x3FB5];
	_ =	sdelay $0x3  }
0x36: {  	p1 =	seq.s32 s10, $0x1;
	s10 =	sld [smem:$0x3FB6];
	_ =	sdelay $0x3  }
0x37: {  	[smem:$0x3FB6] =	sst s10  }
0x38: {  	s10 =	sld [smem:$0x3FB7]  }
0x39: {  	_ = 	snop;
	(pc) =	sbr.ind lr, $3  }
0x3a: {  	_ = 	snop  }
0x3b: {  	_ = 	snop  }
0x3c: {  	p2 =	seq.s32 s10, $0x1;
	s10 =	sld [smem:$0x3FB6]  }
0x3d: {  	_ =	shalt  }
0x3e: {  	_ =	shalt  }
0x3f: {  	_ =	shalt  }
0x40: {  	_ =	shalt  }
0x41: {  	_ =	shalt  }
0x42: {  	_ =	shalt  }
0x43: {  	_ =	shalt  }
0x44: {  	_ =	shalt  }
0x45: {  	_ =	shalt  }
0x46: {  	_ =	shalt  }
0x47: {  	_ =	shalt  }
0x48: {  	_ =	shalt  }
0x49: {  	_ =	shalt  }
0x4a: {  	_ =	shalt  }
0x4b: {  	_ =	shalt  }
0x4c: {  	_ =	shalt  }
0x4d: {  	_ =	shalt  }
0x4e: {  	_ =	shalt  }
0x4f: {  	_ =	shalt  }
0x50: {  	_ =	shalt  }
0x51: {  	_ =	shalt  }
0x52: {  	_ =	shalt  }
0x53: {  	_ =	shalt  }
0x54: {  	_ =	shalt  }
0x55: {  	_ =	shalt  }
0x56: {  	_ =	shalt  }
0x57: {  	_ =	shalt  }
0x58: {  	_ =	shalt  }
0x59: {  	_ =	shalt  }
0x5a: {  	_ =	shalt  }
0x5b: {  	_ =	shalt  }
0x5c: {  	_ =	shalt  }
0x5d: {  	_ =	shalt  }
0x5e: {  	_ =	shalt  }
0x5f: {  	_ =	shalt  }
0x60: {  	_ =	shalt  }
0x61: {  	_ =	shalt  }
0x62: {  	_ =	shalt  }
0x63: {  	_ =	shalt  }
0x64: {  	_ =	shalt  }
0x65: {  	_ =	shalt  }
0x66: {  	_ =	shalt  }
0x67: {  	_ =	shalt  }
0x68: {  	_ =	shalt  }
0x69: {  	_ =	shalt  }
0x6a: {  	_ =	shalt  }
0x6b: {  	_ =	shalt  }
0x6c: {  	_ =	shalt  }
0x6d: {  	_ =	shalt  }
0x6e: {  	_ =	shalt  }
0x6f: {  	_ =	shalt  }
0x70: {  	_ =	shalt  }
0x71: {  	_ =	shalt  }
0x72: {  	_ =	shalt  }
0x73: {  	_ =	shalt  }
0x74: {  	_ =	shalt  }
0x75: {  	_ =	shalt  }
0x76: {  	_ =	shalt  }
0x77: {  	_ =	shalt  }
0x78: {  	_ =	shalt  }
0x79: {  	_ =	shalt  }
0x7a: {  	_ =	shalt  }
0x7b: {  	_ =	shalt  }
0x7c: {  	_ =	shalt  }
0x7d: {  	_ =	shalt  }
0x7e: {  	_ =	shalt  }
0x7f: {  	_ =	shalt  }
0x80: {  	_ =	shalt  }
0x81: {  	_ =	shalt  }
0x82: {  	_ =	shalt  }
0x83: {  	_ =	shalt  }
0x84: {  	_ =	shalt  }
0x85: {  	_ =	shalt  }
0x86: {  	_ =	shalt  }
0x87: {  	_ =	shalt  }
.Lfunc_end0:
.L_simem_size_0:
called_computation.1_lowered:
.L_overlay_start_0:
0x88: {  	s2 =	sld [smem:$0x3FD9]  }
0x89: {  	s3 =	sld [smem:$0x3FFE];
	_ =	sdelay $0x1  }
0x8a: {  	s1 =	srdreg.scid  }
0x8b: {  	s0 =	sand.u32 $0x1, s1  }
0x8c: {  	s17 =	sshll.u32 s0, $0xA;
	s2 =	sadd.s32 s3, s2  }
0x8d: {  	s2 =	sadd.s32 s2, s17  }
0x8e: {  	[smem:$0x3FC2] =	sst s2  }
0x8f: {  	_ = 	snop  }
0x90: {  	s2 =	sld [smem:$0x3FD0];
	(tm) =	ssettm $0x1  }
0x91: {  	s18 =	sld [smem:$0x3FFB];
	_ =	sdelay $0x3  }
0x92: {  	_ =	strace s18  }
0x93: {  	s3 =	sld [smem:$0x3FFC];
	_ =	sdelay $0x3  }
0x94: {  	_ =	strace s3  }
0x95: {  	s3 =	sld [smem:$0x3FFD];
	_ =	sdelay $0x3  }
0x96: {  	_ =	strace s3  }
0x97: {  	_ =	strace $0x8FFFFFFF  }
0x98: {  	s19 =	sld [smem:$0x3FDB];
	_ =	sdelay $0x1  }
0x99: {  	s4 =	simm.s32 $_scs_section_size  }
0x9a: {  	s5 =	simm.s32 $_size__tile_overlayer_lowered;
	s6 =	simm.s32 $_tile_overlayer_lowered  }
0x9b: {  	s22 =	simm.s32 $0x1BFF;
	s21 =	sshll.u32 s6, $0x1;
	s3 =	sadd.s32 s4, s19  }
0x9c: {  	s7 =	simm.s32 $0x0;
	s20 =	sshll.u32 s5, $0x1;
	s5 =	sadd.s32 s21, s3  }
0x9d: {  	[timem:s7], [sflag:s22] =	dma.local [hbm:s5], s20  }
0x9e: {  	_ =	swait.ge [sflag:s22], s20  }
0x9f: {  	s4 =	ssub.s32 $0x0, s20;
	[sflag:s22] =	ssyncset.done $0x0  }
0xa0: {  	[sflag:s22] =	ssyncadd.s32 s4;
	_ =	sdelay $0x1  }
0xa1: {  	s23 =	simm.s32 $0x1B8B  }
0xa2: {  	_ =	swait.ge [sflag:s23], $0x1  }
0xa3: {  	[sflag:s23] =	ssyncset.done $0x0  }
0xa4: {  	s25 =	simm.s32 $0x1B8E;
	s24 =	sld [smem:$0x3FFE];
	[sflag:s23] =	ssyncadd.s32 $0xFFFFFFFF  }
0xa5: {  	s26 =	simm.s32 $execute0_lowered;
	[smem:$0x3FD2] =	sst s25  }
0xa6: {  	s5 =	sshll.u32 s26, $0x1;
	_ =	strace $0x80000049;
	[dreg:$0x1] =	wrdreg $0xFFFFFFFF  }
0xa7: {  	s28 =	simm.s32 $_size_execute0_lowered;
	s3 =	sadd.s32 s3, s5;
	[dreg:$0x0] =	wrdreg $0x0  }
0xa8: {  	s5 =	sshll.u32 s28, $0x1;
	[dreg:$0x2] =	wrdreg s3  }
0xa9: {  	[dreg:$0x3] =	wrdreg s5  }
0xaa: {  	[dreg:$0x4] =	wrdreg $0xC0  }
0xab: {  	_ =	task [dreg:s7], $0x5FFFF  }
0xac: {  	[dreg:$0x1] =	wrdreg $0xFFFFFFFF  }
0xad: {  	[dreg:$0x0] =	wrdreg $0x60  }
0xae: {  	[dreg:$0x2] =	wrdreg s24  }
0xaf: {  	[dreg:$0x3] =	wrdreg s2  }
0xb0: {  	[dreg:$0x4] =	wrdreg $0xAD000  }
0xb1: {  	[dreg:$0x5] =	wrdreg $0x9  }
0xb2: {  	_ =	task.clear_ibuf [dreg:s7], $0x6FFFF;
	_ =	strace $0x90000049  }
0xb3: {  	s29 =	simm.s32 $0x9;
	_ =	strace $0x8000004B  }
0xb4: {  	_ =	swait.ge [sflag:s29], $0x1  }
0xb5: {  	[sflag:s29] =	ssyncadd.s32 $0xFFFFFFFF  }
0xb6: {  	_ =	strace $0x9000004B  }
0xb7: {  	_ =	sfence  }
0xb8: {  	s30 =	sld [smem:$0x0];
	_ =	sdelay $0x2  }
0xb9: {  	s31 =	sshll.u32 s1, $0xD;
	s1 =	sshrl.u32 s1, $0x2  }
0xba: {  	s3 =	sand.u32 $0x4000, s31;
	s1 =	sadd.s32 s1, s30  }
0xbb: {  	s0 =	sor.u32 s3, s0;
	s1 =	sshll.u32 s1, $0x11  }
0xbc: {  	s0 =	sor.u32 s1, s0  }
0xbd: {  	s0 =	sadd.s32 $0x8F2B, s0  }
0xbe: {  	[sflag:s0] =	ssyncadd.remote.s32 $0x1  }
0xbf: {  	_ =	sfence.sel $0xFFFF  }
0xc0: {  	[dreg:$0x0] =	wrdreg $0xFFFFFFFF;
	(pc) =	sbr.abs _section_cstart, $3  }
0xc1: {  	[dreg:$0x1] =	wrdreg $0xFFFFFFFF  }
0xc2: {  	_ =	task.clear_ibuf [dreg:s7], $0x2FFFF;
	_ =	strace $0x9FFFFFFF  }
0xc3: {  	(tm) =	ssettm $0x7FFFFFFF  }
tec
execute0_lowered:
.L_overlay_start_1:
0x0: {  	(tag) =	ssettag $0x1  }
0x1: {  	s7 =	rddreg [dreg:$0x0]  }
0x2: {  	s1 =	srdreg.scid;
	s2 =	rddreg [dreg:$0x1]  }
0x3: {  	s0 =	stileid.u32;
	s3 =	rddreg [dreg:$0x2];
	s5 =	simm.s32 $0x0  }
0x4: {  	s15 =	simm.s32 $0x2800;
	s16 =	simm.s32 $0x2880;
	s17 =	simm.s32 $0x2900  }
0x5: {  	s18 =	simm.s32 $0x80;
	s19 =	simm.s32 $0x6900;
	s20 =	simm.s32 $0x1  }
0x6: {  	s21 =	simm.s32 $0x3;
	s22 =	simm.s32 $0x2;
	s23 =	simm.s32 $0x4  }
0x7: {  	s24 =	simm.s32 $0x2780;
	s25 =	simm.s32 $0x0;
	s10 =	smul.u32 $0x14000, s0  }
0x8: {  	s8 =	sand.u32 $0x1, s1;
	s28 =	sshll.u32 s0, $0x1;
	s29 =	smul.u32 $0x50000, s0  }
0x9: {  	[smem:$0x7FF] =	sst s5;
	s1 =	sor.u32 s8, s28;
	s9 =	smul.u32 $0x140000, s8  }
0xa: {  	s6 =	sadd.s32 $0xCA00, s7;
	s8 =	ssub.s32 $0x2, s8;
	s4 =	smul.u32 $0x2800, s1  }
0xb: {  	s1 =	rddreg [dreg:$0x3];
	_ =	strace $0x8000004A;
	s30 =	sshrl.u32 s8, $0x1  }
0xc: {  	s31 =	sshrl.u32 s29, $0x2;
	s9 =	sadd.s32 s10, s9;
	s14 =	ssub.s32 s8, s30  }
0xd: {  	s8 =	sadd.s32 s31, s3;
	s11 =	sshrl.u32 s4, $0x3;
	s9 =	sshrl.u32 s9, $0x3  }
0xe: {  	s12 =	sadd.s32 s11, s7;
	s13 =	sadd.s32 s9, s7;
	s7 =	sadd.s32 s2, s11  }
0xf: {  	s9 =	sadd.s32 $0x2A00, s12;
	s10 =	sadd.s32 $0x10, s7;
	s11 =	sadd.s32 $0x34A00, s13  }
0x10: {  	v0 =	vimm.f32 $0.0e+00;
	s12 =	smax.u32 s14, $0x1;
	s13 =	simm.s32 $0xA900;
	s14 =	simm.s32 $0x5  }
.LBB2_1:
0x11: {  	s26 =	simm.s32 $0x0;
	s28 =	simm.s32 $0x0  }
.LBB2_2:
0x12: {  	p0 =	sne.s32 s28, $0xFC0  }
.Ltmp0:
0x13: {  	_ = 	snop;
	(pc) =	sbr.rel @p0 .LBB2_2-.Ltmp0, $4  }
0x14: {  	s29 =	sand.u32 $0xE00, s28  }
0x15: {  	s30 =	sand.u32 $0x70, s26;
	s29 =	sshrl.u32 s29, $0x2  }
0x16: {  	s29 =	sor.u32 s30, s29  }
0x17: {  	s26 =	sadd.s32 $0x10, s26;
	s28 =	sadd.s32 $0x40, s28;
	[tilespmem:s29+$0xA900] =	vst v0  }
0x18: {  	s26 =	sadd.s32 $0x0, s8  }
0x19: {  	[spmem:s26] =	stream.linear.scatter [tilespmem:s13], [sflag:$0x5], $0x400, $0x38;
	[tilespmem:$0x1ED00] =	vst v63  }
0x1a: {  	s26 =	simm.s32 $0x1000;
	_ =	swait.ge [sflag:s14], $0x400  }
.LBB2_4:
0x1b: {  	s28 =	sshra.s32 s26, $0x2;
	[sflag:s14] =	ssyncset.done $0x0;
	p0 =	sne.s32 s26, $0x4F000  }
.Ltmp1:
0x1c: {  	s28 =	sadd.s32 s28, s8;
	[sflag:s14] =	ssyncadd.s32 $0xFFFFFC00;
	(pc) =	sbr.rel @p0 .LBB2_4-.Ltmp1, $3  }
0x1d: {  	[spmem:s28] =	stream.linear.scatter [tilespmem:s13], [sflag:$0x5], $0x400, $0x38;
	[tilespmem:$0x1ED00] =	vst v63  }
0x1e: {  	s26 =	sadd.s32 $0x1000, s26;
	_ =	sdelay $0x1  }
0x1f: {  	_ =	swait.ge [sflag:s14], $0x400  }
0x20: {  	[sflag:s14] =	ssyncset.done $0x0  }
0x21: {  	[sflag:s14] =	ssyncadd.s32 $0xFFFFFC00  }
0x22: {  	[tilespmem:s5], [sflag:$0x5] =	stream.linear.gather [hbm4b:s9+s5], $0x2800, $0x38;
	[tilespmem:$0x1ED00] =	vst v63  }
0x23: {  	_ =	swait.ge [sflag:s14], $0x2800  }
0x24: {  	[sflag:s14] =	ssyncset.done $0x0  }
0x25: {  	[sflag:s14] =	ssyncadd.s32 $0xFFFFD800  }
0x26: {  	[bflag:$0x0] =	sbarrier.arrive $0xFFFF  }
0x27: {  	[tilespmem:s15], [sflag:$0x3] =	stream.linear.gather [hbm4b:s7+s5], $0x80, $0x38;
	[tilespmem:$0x1ED00] =	vst v63  }
0x28: {  	_ = 	snop  }
0x29: {  	[tilespmem:s16], [sflag:$0x4] =	stream.linear.gather [hbm4b:s10+s5], $0x80, $0x38;
	[tilespmem:$0x1ED00] =	vst v63  }
0x2a: {  	s26 =	simm.s32 $0x80  }
0x2b: {  	[tilespmem:s17], [sflag:$0x1] =	stream.indirect.gather [hbm4b:s6+s26], $0x80, s5, s26, $0xb8;
	[tilespmem:$0x1ED00] =	vst v63  }
0x2c: {  	_ = 	snop  }
0x2d: {  	[tilespmem:s19], [sflag:$0x2] =	stream.indirect.gather [hbm4b:s6+s18], $0x80, s26, s18, $0xb8;
	[tilespmem:$0x1ED00] =	vst v63  }
0x2e: {  	_ =	swait.ge [sflag:s20], $0x4000  }
0x2f: {  	[sflag:s20] =	ssyncset.done $0x0  }
0x30: {  	[sflag:s20] =	ssyncadd.s32 $0xFFFFC000  }
0x31: {  	s28 =	simm.s32 $0x100;
	_ =	swait.ge [sflag:s21], $0x80  }
0x32: {  	s29 =	sand.u32 $0x7C00, s28;
	[sflag:s21] =	ssyncset.done $0x0  }
0x33: {  	s28 =	sand.u32 $0x300, s28;
	s29 =	sadd.s32 s4, s29;
	[sflag:s21] =	ssyncadd.s32 $0xFFFFFF80  }
0x34: {  	[spmem:s3] =	stream.indirect.scatter.add.f32 [tilespmem:s17], [sflag:$0x5], $0x80, s15, s18, $0xb8;
	[tilespmem:$0x1ED00] =	vst v63  }
0x35: {  	s28 =	sor.u32 s28, s29;
	_ =	swait.ge [sflag:s14], $0x4000  }
0x36: {  	s28 =	sshrl.u32 s28, $0x3;
	[sflag:s14] =	ssyncset.done $0x0  }
0x37: {  	s28 =	sadd.s32 s2, s28;
	[sflag:s14] =	ssyncadd.s32 $0xFFFFC000  }
0x38: {  	[tilespmem:s15], [sflag:$0x3] =	stream.linear.gather [hbm4b:s28+s5], $0x80, $0x38;
	[tilespmem:$0x1ED00] =	vst v63  }
0x39: {  	s28 =	simm.s32 $0x100  }
0x3a: {  	[tilespmem:s17], [sflag:$0x1] =	stream.indirect.gather [hbm4b:s6+s18], $0x80, s28, s18, $0xb8;
	[tilespmem:$0x1ED00] =	vst v63  }
0x3b: {  	_ =	swait.ge [sflag:s22], $0x4000  }
0x3c: {  	[sflag:s22] =	ssyncset.done $0x0  }
0x3d: {  	[sflag:s22] =	ssyncadd.s32 $0xFFFFC000  }
0x3e: {  	s28 =	simm.s32 $0x180;
	_ =	swait.ge [sflag:s23], $0x80  }
0x3f: {  	s29 =	sand.u32 $0x7C00, s28;
	[sflag:s23] =	ssyncset.done $0x0  }
0x40: {  	s28 =	sand.u32 $0x380, s28;
	s29 =	sadd.s32 s4, s29;
	[sflag:s23] =	ssyncadd.s32 $0xFFFFFF80  }
0x41: {  	[spmem:s3] =	stream.indirect.scatter.add.f32 [tilespmem:s19], [sflag:$0x5], $0x80, s16, s18, $0xb8;
	[tilespmem:$0x1ED00] =	vst v63  }
0x42: {  	s29 =	sor.u32 s28, s29;
	_ =	swait.ge [sflag:s14], $0x4000  }
0x43: {  	s28 =	simm.s32 $0x280;
	s29 =	sshrl.u32 s29, $0x3;
	[sflag:s14] =	ssyncset.done $0x0  }
.LBB2_6:
0x44: {  	[sflag:s14] =	ssyncadd.s32 $0xFFFFC000;
	s29 =	sadd.s32 s2, s29;
	s26 =	sadd.s32 $0x100, s26  }
0x45: {  	[tilespmem:s16], [sflag:$0x4] =	stream.linear.gather [hbm4b:s29+s5], $0x80, $0x38;
	[tilespmem:$0x1ED00] =	vst v63  }
0x46: {  	p0 =	sne.s32 s28, $0x2780;
	s29 =	smov.u32 s28;
	s28 =	sadd.s32 $0x100, s28  }
0x47: {  	[tilespmem:s19], [sflag:$0x2] =	stream.indirect.gather [hbm4b:s6+s18], $0x80, s26, s18, $0xb8;
	[tilespmem:$0x1ED00] =	vst v63  }
0x48: {  	_ =	swait.ge [sflag:s20], $0x4000  }
0x49: {  	[sflag:s20] =	ssyncset.done $0x0  }
0x4a: {  	[sflag:s20] =	ssyncadd.s32 $0xFFFFC000  }
0x4b: {  	s30 =	sadd.s32 $0xFFFFFF80, s29;
	_ =	swait.ge [sflag:s21], $0x80  }
0x4c: {  	s31 =	sand.u32 $0x7C00, s30;
	s30 =	sand.u32 $0x300, s30;
	[sflag:s21] =	ssyncset.done $0x0  }
0x4d: {  	s31 =	sadd.s32 s4, s31;
	[sflag:s21] =	ssyncadd.s32 $0xFFFFFF80  }
0x4e: {  	[spmem:s3] =	stream.indirect.scatter.add.f32 [tilespmem:s17], [sflag:$0x5], $0x80, s15, s18, $0xb8;
	[tilespmem:$0x1ED00] =	vst v63  }
0x4f: {  	s30 =	sor.u32 s30, s31;
	_ =	swait.ge [sflag:s14], $0x4000  }
0x50: {  	s30 =	sshrl.u32 s30, $0x3;
	[sflag:s14] =	ssyncset.done $0x0  }
0x51: {  	s31 =	sadd.s32 $0x80, s26;
	s30 =	sadd.s32 s2, s30;
	[sflag:s14] =	ssyncadd.s32 $0xFFFFC000  }
0x52: {  	[tilespmem:s15], [sflag:$0x3] =	stream.linear.gather [hbm4b:s30+s5], $0x80, $0x38;
	[tilespmem:$0x1ED00] =	vst v63  }
0x53: {  	_ = 	snop  }
0x54: {  	[tilespmem:s17], [sflag:$0x1] =	stream.indirect.gather [hbm4b:s6+s18], $0x80, s31, s18, $0xb8;
	[tilespmem:$0x1ED00] =	vst v63  }
0x55: {  	_ =	swait.ge [sflag:s22], $0x4000  }
0x56: {  	[sflag:s22] =	ssyncset.done $0x0  }
0x57: {  	[sflag:s22] =	ssyncadd.s32 $0xFFFFC000  }
0x58: {  	_ =	swait.ge [sflag:s23], $0x80  }
.Ltmp2:
0x59: {  	s30 =	sand.u32 $0x7C00, s29;
	[sflag:s23] =	ssyncset.done $0x0;
	(pc) =	sbr.rel @p0 .LBB2_6-.Ltmp2, $4  }
0x5a: {  	s29 =	sand.u32 $0x380, s29;
	s30 =	sadd.s32 s4, s30;
	[sflag:s23] =	ssyncadd.s32 $0xFFFFFF80  }
0x5b: {  	[spmem:s3] =	stream.indirect.scatter.add.f32 [tilespmem:s19], [sflag:$0x5], $0x80, s16, s18, $0xb8;
	[tilespmem:$0x1ED00] =	vst v63  }
0x5c: {  	s29 =	sor.u32 s29, s30;
	_ =	swait.ge [sflag:s14], $0x4000  }
0x5d: {  	s29 =	sshrl.u32 s29, $0x3;
	[sflag:s14] =	ssyncset.done $0x0  }
0x5e: {  	[sflag:s14] =	ssyncadd.s32 $0xFFFFC000;
	s26 =	sadd.s32 s2, s29  }
0x5f: {  	[tilespmem:s16], [sflag:$0x4] =	stream.linear.gather [hbm4b:s26+s5], $0x80, $0x38;
	[tilespmem:$0x1ED00] =	vst v63  }
0x60: {  	_ = 	snop  }
0x61: {  	[tilespmem:s19], [sflag:$0x2] =	stream.indirect.gather [hbm4b:s6+s18], $0x80, s24, s18, $0xb8;
	[tilespmem:$0x1ED00] =	vst v63  }
0x62: {  	_ =	swait.ge [sflag:s20], $0x4000  }
0x63: {  	[sflag:s20] =	ssyncset.done $0x0  }
0x64: {  	[sflag:s20] =	ssyncadd.s32 $0xFFFFC000  }
0x65: {  	_ =	swait.ge [sflag:s21], $0x80  }
0x66: {  	[sflag:s21] =	ssyncset.done $0x0  }
0x67: {  	[sflag:s21] =	ssyncadd.s32 $0xFFFFFF80  }
0x68: {  	[spmem:s3] =	stream.indirect.scatter.add.f32 [tilespmem:s17], [sflag:$0x5], $0x80, s15, s18, $0xb8;
	[tilespmem:$0x1ED00] =	vst v63  }
0x69: {  	_ =	swait.ge [sflag:s14], $0x4000  }
0x6a: {  	[sflag:s14] =	ssyncset.done $0x0  }
0x6b: {  	[sflag:s14] =	ssyncadd.s32 $0xFFFFC000  }
0x6c: {  	_ =	swait.ge [sflag:s22], $0x4000  }
0x6d: {  	[sflag:s22] =	ssyncset.done $0x0  }
0x6e: {  	[sflag:s22] =	ssyncadd.s32 $0xFFFFC000  }
0x6f: {  	_ =	swait.ge [sflag:s23], $0x80  }
0x70: {  	[sflag:s23] =	ssyncset.done $0x0  }
0x71: {  	[sflag:s23] =	ssyncadd.s32 $0xFFFFFF80  }
0x72: {  	[spmem:s3] =	stream.indirect.scatter.add.f32 [tilespmem:s19], [sflag:$0x5], $0x80, s16, s18, $0xb8;
	[tilespmem:$0x1ED00] =	vst v63  }
0x73: {  	_ =	swait.ge [sflag:s14], $0x4000  }
0x74: {  	s31 =	sshll.u32 s0, $0x6;
	s25 =	sadd.s32 $0x1, s25;
	[sflag:s14] =	ssyncset.done $0x0  }
0x75: {  	s28 =	sshrl.u32 s8, $0x3;
	p0 =	sne.s32 s25, s12;
	[sflag:s14] =	ssyncadd.s32 $0xFFFFC000  }
.Ltmp3:
0x76: {  	s26 =	sor.u32 $0x1C05, s31;
	[bflag:$0x0] =	sbarrier.arrive $0xFFFF;
	(pc) =	sbr.rel @p0 .LBB2_1-.Ltmp3, $4  }
0x77: {  	[hbm:s11], [sflag:s26] =	dma.local [spmem:s28], $0x2800  }
0x78: {  	_ =	swait.ge [sflag:s14], $0x2800  }
0x79: {  	[sflag:s14] =	ssyncset.done $0x0  }
0x7a: {  	[sflag:s14] =	ssyncadd.s32 $0xFFFFD800  }
0x7b: {  	_ =	sfence.sel $0x180000  }
0x7c: {  	[bflag:$0x0] =	sbarrier.arrive $0xFFFF  }
0x7d: {  	p0 =	sne.s32 s0, $0x0;
	_ =	strace $0x9000004A  }
0x7e: {  	s0 =	sadd.s32 @!p0 $0x100000, s1;
	[bflag:$0x2] =	sbarrier.arrive $0xFFFF  }
0x7f: {  	[sflag:s0] =	ssyncadd.tile.s32 @!p0 $0x1;
	_ =	shalt  }
.Lfunc_end2:
_tile_overlayer_lowered:
.L_overlay_start_2:
0x80: {  	(tag) =	ssettag $0x2  }
0x81: {  	s0 =	rddreg [dreg:$0x0];
	s2 =	stileid.u32  }
0x82: {  	s1 =	rddreg [dreg:$0x1];
	p0 =	sne.s32 s2, $0x0  }
0x83: {  	s3 =	rddreg [dreg:$0x2];
	[bflag:$0x3] =	sbarrier.arrive $0xFFFF;
	s2 =	simm.s32 @!p0 $0x1C05  }
0x84: {  	[timem:s3], [sflag:s2] =	dma.local @!p0 [hbm:s0], s1  }
0x85: {  	s0 =	simm.s32 @!p0 $0x5  }
0x86: {  	_ =	swait.ge @!p0 [sflag:s0], s1  }
0x87: {  	s1 =	ssub.s32 @!p0 $0x0, s1;
	[sflag:s0] =	ssyncset.done @!p0 $0x0  }
0x88: {  	[sflag:s0] =	ssyncadd.s32 @!p0 s1  }
0x89: {  	[bflag:$0x3] =	sbarrier.arrive $0xFFFF  }
0x8a: {  	_ =	shalt  }

// kernel: kernel.7.cloned.1.call-start
scs
__scs_entry_jumppad:
0x0: {  	(pc) =	sbr.rel $0x88, $3  }
0x1: {  	(tag) =	ssettag $0x0;
	lr =	simm.s32 $0x1  }
0x2: {  	[smem:$0x3F9B] =	sst lr;
	_ =	strace $0xD0000000  }
0x3: {  	_ = 	snop  }
0x4: {  	_ = 	snop  }
0x5: {  	_ = 	snop  }
0x6: {  	_ = 	snop  }
0x7: {  	_ = 	snop  }
__scs_overlays_trampoline_lowered:
0x8: {  	[smem:$0x3FAA] =	sst s0  }
0x9: {  	[smem:$0x3FAB] =	sst s1  }
0xa: {  	[smem:$0x3FAC] =	sst s2  }
0xb: {  	[smem:$0x3FAD] =	sst s3  }
0xc: {  	[smem:$0x3FAE] =	sst s4  }
0xd: {  	[smem:$0x3FAF] =	sst s5  }
0xe: {  	[smem:$0x3FB0] =	sst s6  }
0xf: {  	[smem:$0x3FB1] =	sst s7  }
0x10: {  	[smem:$0x3FB2] =	sst s8  }
0x11: {  	[smem:$0x3FB3] =	sst s9;
	s0 =	simm.s32 @!p0 $0x0  }
0x12: {  	s1 =	sld [smem:$0x3F99];
	s0 =	simm.s32 @p0 $0x1  }
0x13: {  	[smem:$0x3FB4] =	sst s0;
	s0 =	simm.s32 @!p1 $0x0  }
0x14: {  	s2 =	sld [smem:$0x3F98];
	s0 =	simm.s32 @p1 $0x1  }
0x15: {  	[smem:$0x3FB5] =	sst s0;
	s0 =	simm.s32 @!p2 $0x0  }
0x16: {  	s3 =	sld [smem:$0x3FDB];
	s0 =	simm.s32 @p2 $0x1  }
0x17: {  	s4 =	simm.s32 $0x1BF5;
	[smem:$0x3FB7] =	sst s0  }
0x18: {  	s0 =	sld [smem:$0x3F9A];
	_ =	swait.ge [sflag:s4], $0x0  }
0x19: {  	s7 =	sld [smem:$0x3F9B]  }
0x1a: {  	s8 =	sadd.s32 $0xFFFFE003, lr  }
0x1b: {  	s9 =	sadd.s32 $0xFFFFFEF7, lr;
	s5 =	simm.s32 $0xFFFFFFFF;
	p2 =	slt.u32 s8, $0xFFFFF086  }
0x1c: {  	p1 =	slt.u32 s9, $0xF7A;
	s5 =	simm.s32 @!p2 $0x0  }
0x1d: {  	s5 =	simm.s32 @p1 $0x1;
	p0 =	seq.s32 s7, s2  }
0x1e: {  	s7 =	smul.u32 @!p0 $0xF7A, s2;
	p2 =	seq.s32 @!p0 s5, $0x0  }
0x1f: {  	s9 =	smul.u32 $0xF7A, s1;
	s8 =	simm.s32 @!p0 $0x1BF5;
	p2 =	por !p2, p0  }
0x20: {  	[sflag:s8] =	ssyncset.s32 @!p0 $0xFFFFF086;
	s6 =	sadd.s32 @!p0 s3, s7;
	s7 =	simm.s32 @!p0 $0x108  }
0x21: {  	s3 =	sadd.s32 s3, s9;
	s6 =	sadd.s32 @!p0 $0x88, s6;
	s7 =	simm.s32 @p2 $0x1082  }
0x22: {  	[simem:s7], [sflag:s8] =	dma.local @!p0 [hbm:s6], $0xF7A  }
0x23: {  	s9 =	sor.u32 $0xD0000000, s2;
	s6 =	simm.s32 $0x108;
	_ =	swait.ge @!p0 [sflag:s8], $0x0  }
0x24: {  	s3 =	sadd.s32 $0x88, s3;
	s6 =	simm.s32 @!p1 $0x1082;
	[sflag:s4] =	ssyncset.s32 $0xFFFFF086  }
0x25: {  	[simem:s6], [sflag:s4] =	dma.local [hbm:s3], $0xF7A  }
0x26: {  	[smem:$0x3F9B] =	sst s1;
	(tag) =	ssettag s2;
	_ =	strace s9  }
0x27: {  	s1 =	sld [smem:$0x3FAB]  }
0x28: {  	s2 =	sld [smem:$0x3FAC]  }
0x29: {  	s4 =	sld [smem:$0x3FAE]  }
0x2a: {  	p0 =	seq.s32 s5, $0x0;
	s5 =	sld [smem:$0x3FAF]  }
0x2b: {  	s6 =	sld [smem:$0x3FB0]  }
0x2c: {  	s7 =	sld [smem:$0x3FB1]  }
0x2d: {  	s3 =	simm.s32 $0x108;
	s8 =	sld [smem:$0x3FB2]  }
0x2e: {  	s3 =	simm.s32 @!p0 $0x1082;
	s9 =	sld [smem:$0x3FB3]  }
0x2f: {  	lr =	sadd.s32 s0, s3;
	s0 =	sld [smem:$0x3FAA]  }
0x30: {  	s3 =	sld [smem:$0x3FAD]  }
0x31: {  	[smem:$0x3FB6] =	sst s10  }
0x32: {  	s10 =	sld [smem:$0x3FB4];
	_ =	sdelay $0x3  }
0x33: {  	p0 =	seq.s32 s10, $0x1;
	s10 =	sld [smem:$0x3FB6];
	_ =	sdelay $0x3  }
0x34: {  	[smem:$0x3FB6] =	sst s10  }
0x35: {  	s10 =	sld [smem:$0x3FB5];
	_ =	sdelay $0x3  }
0x36: {  	p1 =	seq.s32 s10, $0x1;
	s10 =	sld [smem:$0x3FB6];
	_ =	sdelay $0x3  }
0x37: {  	[smem:$0x3FB6] =	sst s10  }
0x38: {  	s10 =	sld [smem:$0x3FB7]  }
0x39: {  	_ = 	snop;
	(pc) =	sbr.ind lr, $3  }
0x3a: {  	_ = 	snop  }
0x3b: {  	_ = 	snop  }
0x3c: {  	p2 =	seq.s32 s10, $0x1;
	s10 =	sld [smem:$0x3FB6]  }
0x3d: {  	_ =	shalt  }
0x3e: {  	_ =	shalt  }
0x3f: {  	_ =	shalt  }
0x40: {  	_ =	shalt  }
0x41: {  	_ =	shalt  }
0x42: {  	_ =	shalt  }
0x43: {  	_ =	shalt  }
0x44: {  	_ =	shalt  }
0x45: {  	_ =	shalt  }
0x46: {  	_ =	shalt  }
0x47: {  	_ =	shalt  }
0x48: {  	_ =	shalt  }
0x49: {  	_ =	shalt  }
0x4a: {  	_ =	shalt  }
0x4b: {  	_ =	shalt  }
0x4c: {  	_ =	shalt  }
0x4d: {  	_ =	shalt  }
0x4e: {  	_ =	shalt  }
0x4f: {  	_ =	shalt  }
0x50: {  	_ =	shalt  }
0x51: {  	_ =	shalt  }
0x52: {  	_ =	shalt  }
0x53: {  	_ =	shalt  }
0x54: {  	_ =	shalt  }
0x55: {  	_ =	shalt  }
0x56: {  	_ =	shalt  }
0x57: {  	_ =	shalt  }
0x58: {  	_ =	shalt  }
0x59: {  	_ =	shalt  }
0x5a: {  	_ =	shalt  }
0x5b: {  	_ =	shalt  }
0x5c: {  	_ =	shalt  }
0x5d: {  	_ =	shalt  }
0x5e: {  	_ =	shalt  }
0x5f: {  	_ =	shalt  }
0x60: {  	_ =	shalt  }
0x61: {  	_ =	shalt  }
0x62: {  	_ =	shalt  }
0x63: {  	_ =	shalt  }
0x64: {  	_ =	shalt  }
0x65: {  	_ =	shalt  }
0x66: {  	_ =	shalt  }
0x67: {  	_ =	shalt  }
0x68: {  	_ =	shalt  }
0x69: {  	_ =	shalt  }
0x6a: {  	_ =	shalt  }
0x6b: {  	_ =	shalt  }
0x6c: {  	_ =	shalt  }
0x6d: {  	_ =	shalt  }
0x6e: {  	_ =	shalt  }
0x6f: {  	_ =	shalt  }
0x70: {  	_ =	shalt  }
0x71: {  	_ =	shalt  }
0x72: {  	_ =	shalt  }
0x73: {  	_ =	shalt  }
0x74: {  	_ =	shalt  }
0x75: {  	_ =	shalt  }
0x76: {  	_ =	shalt  }
0x77: {  	_ =	shalt  }
0x78: {  	_ =	shalt  }
0x79: {  	_ =	shalt  }
0x7a: {  	_ =	shalt  }
0x7b: {  	_ =	shalt  }
0x7c: {  	_ =	shalt  }
0x7d: {  	_ =	shalt  }
0x7e: {  	_ =	shalt  }
0x7f: {  	_ =	shalt  }
0x80: {  	_ =	shalt  }
0x81: {  	_ =	shalt  }
0x82: {  	_ =	shalt  }
0x83: {  	_ =	shalt  }
0x84: {  	_ =	shalt  }
0x85: {  	_ =	shalt  }
0x86: {  	_ =	shalt  }
0x87: {  	_ =	shalt  }
.Lfunc_end0:
.L_simem_size_0:
called_computation_lowered:
.L_overlay_start_0:
0x88: {  	s2 =	sld [smem:$0x3FD9]  }
0x89: {  	s3 =	sld [smem:$0x3FFE];
	_ =	sdelay $0x1  }
0x8a: {  	s1 =	srdreg.scid  }
0x8b: {  	s0 =	sand.u32 $0x1, s1  }
0x8c: {  	s17 =	sshll.u32 s0, $0xA;
	s2 =	sadd.s32 s3, s2  }
0x8d: {  	s2 =	sadd.s32 s2, s17  }
0x8e: {  	[smem:$0x3FC2] =	sst s2  }
0x8f: {  	_ = 	snop  }
0x90: {  	s2 =	sld [smem:$0x3FD0];
	(tm) =	ssettm $0x1  }
0x91: {  	s18 =	sld [smem:$0x3FFB];
	_ =	sdelay $0x3  }
0x92: {  	_ =	strace s18  }
0x93: {  	s3 =	sld [smem:$0x3FFC];
	_ =	sdelay $0x3  }
0x94: {  	_ =	strace s3  }
0x95: {  	s3 =	sld [smem:$0x3FFD];
	_ =	sdelay $0x3  }
0x96: {  	_ =	strace s3  }
0x97: {  	_ =	strace $0x8FFFFFFF  }
0x98: {  	s19 =	sld [smem:$0x3FDB];
	_ =	sdelay $0x1  }
0x99: {  	s4 =	simm.s32 $_scs_section_size  }
0x9a: {  	s5 =	simm.s32 $_size__tile_overlayer_lowered;
	s6 =	simm.s32 $_tile_overlayer_lowered  }
0x9b: {  	s22 =	simm.s32 $0x1BFF;
	s21 =	sshll.u32 s6, $0x1;
	s3 =	sadd.s32 s4, s19  }
0x9c: {  	s7 =	simm.s32 $0x0;
	s20 =	sshll.u32 s5, $0x1;
	s5 =	sadd.s32 s21, s3  }
0x9d: {  	[timem:s7], [sflag:s22] =	dma.local [hbm:s5], s20  }
0x9e: {  	_ =	swait.ge [sflag:s22], s20  }
0x9f: {  	s4 =	ssub.s32 $0x0, s20;
	[sflag:s22] =	ssyncset.done $0x0  }
0xa0: {  	[sflag:s22] =	ssyncadd.s32 s4;
	_ =	sdelay $0x1  }
0xa1: {  	s23 =	simm.s32 $0x1B8B  }
0xa2: {  	_ =	swait.ge [sflag:s23], $0x1  }
0xa3: {  	[sflag:s23] =	ssyncset.done $0x0  }
0xa4: {  	s25 =	simm.s32 $0x1B8E;
	s24 =	sld [smem:$0x3FFE];
	[sflag:s23] =	ssyncadd.s32 $0xFFFFFFFF  }
0xa5: {  	s26 =	simm.s32 $execute0_lowered;
	[smem:$0x3FD2] =	sst s25  }
0xa6: {  	s5 =	sshll.u32 s26, $0x1;
	_ =	strace $0x80000046;
	[dreg:$0x1] =	wrdreg $0xFFFFFFFF  }
0xa7: {  	s28 =	simm.s32 $_size_execute0_lowered;
	s3 =	sadd.s32 s3, s5;
	[dreg:$0x0] =	wrdreg $0x0  }
0xa8: {  	s5 =	sshll.u32 s28, $0x1;
	[dreg:$0x2] =	wrdreg s3  }
0xa9: {  	[dreg:$0x3] =	wrdreg s5  }
0xaa: {  	[dreg:$0x4] =	wrdreg $0xC0  }
0xab: {  	_ =	task [dreg:s7], $0x5FFFF  }
0xac: {  	[dreg:$0x1] =	wrdreg $0xFFFFFFFF  }
0xad: {  	[dreg:$0x0] =	wrdreg $0x60  }
0xae: {  	[dreg:$0x2] =	wrdreg s2  }
0xaf: {  	[dreg:$0x3] =	wrdreg s24  }
0xb0: {  	[dreg:$0x4] =	wrdreg $0x2B000  }
0xb1: {  	[dreg:$0x5] =	wrdreg $0x9  }
0xb2: {  	_ =	task.clear_ibuf [dreg:s7], $0x6FFFF;
	_ =	strace $0x90000046  }
0xb3: {  	s29 =	simm.s32 $0x9;
	_ =	strace $0x80000048  }
0xb4: {  	_ =	swait.ge [sflag:s29], $0x1  }
0xb5: {  	[sflag:s29] =	ssyncadd.s32 $0xFFFFFFFF  }
0xb6: {  	_ =	strace $0x90000048  }
0xb7: {  	_ =	sfence  }
0xb8: {  	s30 =	sld [smem:$0x0];
	_ =	sdelay $0x2  }
0xb9: {  	s31 =	sshll.u32 s1, $0xD;
	s1 =	sshrl.u32 s1, $0x2  }
0xba: {  	s3 =	sand.u32 $0x4000, s31;
	s1 =	sadd.s32 s1, s30  }
0xbb: {  	s0 =	sor.u32 s3, s0;
	s1 =	sshll.u32 s1, $0x11  }
0xbc: {  	s0 =	sor.u32 s1, s0  }
0xbd: {  	s0 =	sadd.s32 $0x8F2B, s0  }
0xbe: {  	[sflag:s0] =	ssyncadd.remote.s32 $0x1  }
0xbf: {  	_ =	sfence.sel $0xFFFF  }
0xc0: {  	[dreg:$0x0] =	wrdreg $0xFFFFFFFF;
	(pc) =	sbr.abs _section_cstart, $3  }
0xc1: {  	[dreg:$0x1] =	wrdreg $0xFFFFFFFF  }
0xc2: {  	_ =	task.clear_ibuf [dreg:s7], $0x2FFFF;
	_ =	strace $0x9FFFFFFF  }
0xc3: {  	(tm) =	ssettm $0x7FFFFFFF  }
tec
execute0_lowered:
.L_overlay_start_1:
0x0: {  	(tag) =	ssettag $0x1  }
0x1: {  	s5 =	rddreg [dreg:$0x0]  }
0x2: {  	s4 =	rddreg [dreg:$0x1]  }
0x3: {  	s2 =	rddreg [dreg:$0x2]  }
0x4: {  	s0 =	rddreg [dreg:$0x3]  }
0x5: {  	s3 =	simm.s32 $0x0;
	s6 =	srdreg.scid;
	s1 =	stileid.u32  }
0x6: {  	s11 =	simm.s32 $0x2800;
	s14 =	simm.s32 $0x20;
	s15 =	simm.s32 $0x10  }
0x7: {  	s16 =	simm.s32 $0x0;
	[smem:$0x7FF] =	sst s3;
	s7 =	smul.u32 $0x500, s1  }
0x8: {  	s6 =	sand.u32 $0x1, s6;
	s9 =	sshll.u32 s1, $0x1;
	s30 =	smul.u32 $0xA00, s1  }
0x9: {  	s12 =	sshll.u32 s1, $0x6;
	_ =	strace $0x80000047;
	s8 =	sshll.u32 s6, $0x7  }
0xa: {  	s29 =	sor.u32 s6, s9;
	s6 =	ssub.s32 $0x2, s6;
	s12 =	sor.u32 $0x1C01, s12  }
0xb: {  	s7 =	sor.u32 s8, s7;
	s8 =	smul.u32 $0x500, s29;
	s31 =	sshrl.u32 s6, $0x1  }
0xc: {  	s9 =	sshrl.u32 s30, $0x2;
	s7 =	sshrl.u32 s7, $0x3;
	s10 =	ssub.s32 s6, s31  }
0xd: {  	s7 =	sadd.s32 s7, s4;
	s4 =	sadd.s32 s9, s2;
	s5 =	sadd.s32 s5, s8  }
0xe: {  	s8 =	simm.s32 $0x2880;
	s9 =	simm.s32 $0x1;
	s6 =	sadd.s32 $0x2000, s7  }
0xf: {  	v0 =	vimm.f32 $0.0e+00;
	v1 =	vimm.f32 $1.000000000e+00;
	s7 =	smax.u32 s10, $0x1;
	s10 =	simm.s32 $0x80;
	s13 =	sshrl.u32 s4, $0x3  }
.LBB2_1:
0x10: {  	[tilespmem:$0x2880] =	vst v0  }
0x11: {  	[tilespmem:$0x2890] =	vst v0  }
0x12: {  	[tilespmem:$0x28A0] =	vst v0  }
0x13: {  	[tilespmem:$0x28B0] =	vst v0  }
0x14: {  	[tilespmem:$0x28C0] =	vst v0  }
0x15: {  	[tilespmem:$0x28D0] =	vst v0  }
0x16: {  	[tilespmem:$0x28E0] =	vst v0  }
0x17: {  	[tilespmem:$0x28F0] =	vst v0  }
0x18: {  	[tilespmem:$0x2900] =	vst v0  }
0x19: {  	[tilespmem:$0x2910] =	vst v0  }
0x1a: {  	[tilespmem:$0x2920] =	vst v0  }
0x1b: {  	[tilespmem:$0x2930] =	vst v0  }
0x1c: {  	[tilespmem:$0x2940] =	vst v0  }
0x1d: {  	[tilespmem:$0x2950] =	vst v0  }
0x1e: {  	[tilespmem:$0x2960] =	vst v0  }
0x1f: {  	[tilespmem:$0x2970] =	vst v0  }
0x20: {  	[tilespmem:$0x2980] =	vst v0  }
0x21: {  	[tilespmem:$0x2990] =	vst v0  }
0x22: {  	[tilespmem:$0x29A0] =	vst v0  }
0x23: {  	[tilespmem:$0x29B0] =	vst v0  }
0x24: {  	[tilespmem:$0x29C0] =	vst v0  }
0x25: {  	[tilespmem:$0x29D0] =	vst v0  }
0x26: {  	[tilespmem:$0x29E0] =	vst v0  }
0x27: {  	[tilespmem:$0x29F0] =	vst v0  }
0x28: {  	[tilespmem:$0x2A00] =	vst v0  }
0x29: {  	[tilespmem:$0x2A10] =	vst v0  }
0x2a: {  	[tilespmem:$0x2A20] =	vst v0  }
0x2b: {  	[tilespmem:$0x2A30] =	vst v0  }
0x2c: {  	[tilespmem:$0x2A40] =	vst v0  }
0x2d: {  	[tilespmem:$0x2A50] =	vst v0  }
0x2e: {  	[tilespmem:$0x2A60] =	vst v0  }
0x2f: {  	[tilespmem:$0x2A70] =	vst v0  }
0x30: {  	[tilespmem:$0x2A80] =	vst v0  }
0x31: {  	[tilespmem:$0x2A90] =	vst v0  }
0x32: {  	[tilespmem:$0x2AA0] =	vst v0  }
0x33: {  	[tilespmem:$0x2AB0] =	vst v0  }
0x34: {  	[tilespmem:$0x2AC0] =	vst v0  }
0x35: {  	[tilespmem:$0x2AD0] =	vst v0  }
0x36: {  	[tilespmem:$0x2AE0] =	vst v0  }
0x37: {  	[tilespmem:$0x2AF0] =	vst v0  }
0x38: {  	[tilespmem:$0x2800] =	vst v1  }
0x39: {  	[tilespmem:$0x2810] =	vst v1  }
0x3a: {  	[tilespmem:$0x2820] =	vst v1  }
0x3b: {  	[tilespmem:$0x2830] =	vst v1  }
0x3c: {  	[tilespmem:$0x2840] =	vst v1  }
0x3d: {  	[tilespmem:$0x2850] =	vst v1  }
0x3e: {  	[tilespmem:$0x2860] =	vst v1  }
0x3f: {  	[tilespmem:$0x2870] =	vst v1  }
0x40: {  	[spmem:s4] =	stream.linear.scatter [tilespmem:s8], [sflag:$0x1], $0x280, $0x38;
	[tilespmem:$0x2D80] =	vst v63  }
0x41: {  	_ =	swait.ge [sflag:s9], $0x280  }
0x42: {  	[sflag:s9] =	ssyncset.done $0x0  }
0x43: {  	[sflag:s9] =	ssyncadd.s32 $0xFFFFFD80  }
0x44: {  	[tilespmem:s3], [sflag:$0x1] =	stream.linear.gather [hbm4b:s5+s3], $0x2800, $0x38;
	[tilespmem:$0x2D80] =	vst v63  }
0x45: {  	_ =	swait.ge [sflag:s9], $0x2800  }
0x46: {  	[sflag:s9] =	ssyncset.done $0x0  }
0x47: {  	[sflag:s9] =	ssyncadd.s32 $0xFFFFD800  }
0x48: {  	s17 =	simm.s32 $0x0;
	[bflag:$0x0] =	sbarrier.arrive $0xFFFF  }
0x49: {  	[spmem:s2] =	stream.indirect.scatter.add.f32 [tilespmem:s11], [sflag:$0x1], $0x1, s17, s10, $0xb8;
	[tilespmem:$0x2D80] =	vst v63  }
0x4a: {  	_ =	swait.ge [sflag:s9], $0x80  }
0x4b: {  	s17 =	simm.s32 $0x200;
	[sflag:s9] =	ssyncset.done $0x0  }
.LBB2_2:
0x4c: {  	s18 =	sshra.s32 s17, $0x2;
	[sflag:s9] =	ssyncadd.s32 $0xFFFFFF80;
	p0 =	sne.s32 s17, $0x9E00  }
0x4d: {  	[spmem:s2] =	stream.indirect.scatter.add.f32 [tilespmem:s11], [sflag:$0x1], $0x1, s18, s10, $0xb8;
	[tilespmem:$0x2D80] =	vst v63  }
.Ltmp0:
0x4e: {  	_ = 	snop;
	(pc) =	sbr.rel @p0 .LBB2_2-.Ltmp0, $4  }
0x4f: {  	_ = 	snop  }
0x50: {  	s17 =	sadd.s32 $0x200, s17  }
0x51: {  	_ =	swait.ge [sflag:s9], $0x80  }
0x52: {  	[sflag:s9] =	ssyncset.done $0x0  }
0x53: {  	s16 =	sadd.s32 $0x1, s16  }
0x54: {  	[sflag:s9] =	ssyncadd.s32 $0xFFFFFF80;
	p0 =	sne.s32 s16, s7  }
.Ltmp1:
0x55: {  	[bflag:$0x0] =	sbarrier.arrive $0xFFFF;
	(pc) =	sbr.rel @p0 .LBB2_1-.Ltmp1, $4  }
0x56: {  	[hbm:s6@s14], [sflag:s12] =	dma.strided [spmem:s13@s15], $0x50, s9, $0x10   }
0x57: {  	_ =	swait.ge [sflag:s9], $0x50  }
0x58: {  	[sflag:s9] =	ssyncset.done $0x0  }
0x59: {  	[sflag:s9] =	ssyncadd.s32 $0xFFFFFFB0  }
0x5a: {  	_ =	sfence.sel $0x180000  }
0x5b: {  	[bflag:$0x0] =	sbarrier.arrive $0xFFFF  }
0x5c: {  	p0 =	sne.s32 s1, $0x0;
	_ =	strace $0x90000047  }
0x5d: {  	s0 =	sadd.s32 @!p0 $0x100000, s0;
	[bflag:$0x2] =	sbarrier.arrive $0xFFFF  }
0x5e: {  	[sflag:s0] =	ssyncadd.tile.s32 @!p0 $0x1;
	_ =	shalt  }
.Lfunc_end2:
_tile_overlayer_lowered:
.L_overlay_start_2:
0x5f: {  	(tag) =	ssettag $0x2  }
0x60: {  	s0 =	rddreg [dreg:$0x0];
	s2 =	stileid.u32  }
0x61: {  	s1 =	rddreg [dreg:$0x1];
	p0 =	sne.s32 s2, $0x0  }
0x62: {  	s3 =	rddreg [dreg:$0x2];
	[bflag:$0x3] =	sbarrier.arrive $0xFFFF;
	s2 =	simm.s32 @!p0 $0x1C01  }
0x63: {  	[timem:s3], [sflag:s2] =	dma.local @!p0 [hbm:s0], s1  }
0x64: {  	s0 =	simm.s32 @!p0 $0x1  }
0x65: {  	_ =	swait.ge @!p0 [sflag:s0], s1  }
0x66: {  	s1 =	ssub.s32 @!p0 $0x0, s1;
	[sflag:s0] =	ssyncset.done @!p0 $0x0  }
0x67: {  	[sflag:s0] =	ssyncadd.s32 @!p0 s1  }
0x68: {  	[bflag:$0x3] =	sbarrier.arrive $0xFFFF  }
0x69: {  	_ =	shalt  }

</sc_bundles>
